<compile_context>
chip_gen: v7x
topology: tpu7x:2x2x1
jax: 0.10.2.dev20260603
libtpu: 0.0.44.dev20260713+nightly
codegen_flags: <defaults>
</compile_context>

<pallas_src>
import functools

import jax
import jax.numpy as jnp
from jax import lax
from jax.experimental import pallas as pl
from jax.experimental.pallas import tpu as pltpu
from jax.experimental.pallas import tpu_sc as plsc

_B, _DIN, _H, _DC, _K = 16384, 512, 256, 32, 1024
_BS = 1024
_NB = _B // _BS

_NC, _NS = 2, 16
_NW = _NC * _NS
_BPW = _B // _NW
_CH = 128
_NCHUNK = _BPW // _CH


def _enc_body(x_ref, ew1, eb1, ew2, eb2, ew3, eb3, cbt,
              z_ref, idx_ref):
    f32 = jnp.float32
    x = x_ref[...]
    h = jnp.maximum(jnp.dot(x, ew1[...], preferred_element_type=f32) + eb1[...], 0.0)
    h = jnp.maximum(jnp.dot(h, ew2[...], preferred_element_type=f32) + eb2[...], 0.0)
    z = jnp.dot(h, ew3[...], preferred_element_type=f32) + eb3[...]

    cbt_v = cbt[...]
    csq = jnp.sum(cbt_v * cbt_v, axis=0, keepdims=True)
    zsq = jnp.sum(z * z, axis=1, keepdims=True)
    d = (zsq - 2.0 * jnp.dot(z, cbt_v, preferred_element_type=f32)) + csq

    dmin = jnp.min(d, axis=1, keepdims=True)
    iota_k = lax.broadcasted_iota(jnp.int32, (_BS, _K), 1).astype(f32)
    idx = jnp.min(jnp.where(d == dmin, iota_k, float(_K)), axis=1, keepdims=True)

    z_ref[...] = z
    idx_ref[...] = idx


def _dec_body(z_ref, e_ref, dw1, db1, dw2, db2, dw3, db3,
              dec_ref, zq_ref, loss_ref):
    f32 = jnp.float32
    z = z_ref[...]
    e = e_ref[...]
    zq = z + (e - z)
    zq_ref[...] = zq
    diff = z - e
    loss_ref[...] = jnp.full((1, 8, 128), jnp.sum(diff * diff), dtype=f32)

    g = jnp.maximum(jnp.dot(zq, dw1[...], preferred_element_type=f32) + db1[...], 0.0)
    g = jnp.maximum(jnp.dot(g, dw2[...], preferred_element_type=f32) + db2[...], 0.0)
    dec_ref[...] = jnp.dot(g, dw3[...], preferred_element_type=f32) + db3[...]


def _sc_gather_body(cb_hbm, idx_hbm, out_hbm, idx_v, rows_v, sem):
    wid = lax.axis_index("s") * _NC + lax.axis_index("c")
    base = wid * _BPW
    pltpu.sync_copy(idx_hbm.at[wid], idx_v)
    copies = []
    for j in range(_NCHUNK):
        copies.append(pltpu.async_copy(cb_hbm.at[idx_v.at[j]], rows_v.at[j], sem))
    for c in copies:
        c.wait()
    for j in range(_NCHUNK):
        pltpu.sync_copy(rows_v.at[j], out_hbm.at[pl.ds(base + j * _CH, _CH)])


_sc_gather = functools.partial(
    pl.kernel,
    out_type=jax.ShapeDtypeStruct((_B, _DC), jnp.float32),
    mesh=plsc.VectorSubcoreMesh(core_axis_name="c", subcore_axis_name="s"),
    scratch_types=[
        pltpu.VMEM((_NCHUNK, _CH), jnp.int32),
        pltpu.VMEM((_NCHUNK, _CH, _DC), jnp.float32),
        pltpu.SemaphoreType.DMA,
    ],
    compiler_params=pltpu.CompilerParams(use_tc_tiling_on_sc=False),
)(_sc_gather_body)


def _full(shape):
    return pl.BlockSpec(shape, lambda i: (0,) * len(shape))


@jax.jit
def _vqvae(x, enc_w1, enc_b1, enc_w2, enc_b2, enc_w3, enc_b3,
           codebook, dec_w1, dec_b1, dec_w2, dec_b2, dec_w3, dec_b3):
    z, idxf = pl.pallas_call(
        _enc_body,
        grid=(_NB,),
        in_specs=[
            pl.BlockSpec((_BS, _DIN), lambda i: (i, 0)),
            _full((_DIN, _H)), _full((1, _H)),
            _full((_H, _H)), _full((1, _H)),
            _full((_H, _DC)), _full((1, _DC)),
            _full((_DC, _K)),
        ],
        out_specs=[
            pl.BlockSpec((_BS, _DC), lambda i: (i, 0)),
            pl.BlockSpec((_BS, 1), lambda i: (i, 0)),
        ],
        out_shape=[
            jax.ShapeDtypeStruct((_B, _DC), jnp.float32),
            jax.ShapeDtypeStruct((_B, 1), jnp.float32),
        ],
        compiler_params=pltpu.CompilerParams(
            dimension_semantics=("arbitrary",),
        ),
    )(x, enc_w1, enc_b1, enc_w2, enc_b2, enc_w3, enc_b3, codebook.T)

    idx = idxf.astype(jnp.int32).reshape(_NW, _NCHUNK, _CH)
    e = _sc_gather(codebook, idx)

    dec, zq, loss_parts = pl.pallas_call(
        _dec_body,
        grid=(_NB,),
        in_specs=[
            pl.BlockSpec((_BS, _DC), lambda i: (i, 0)),
            pl.BlockSpec((_BS, _DC), lambda i: (i, 0)),
            _full((_DC, _H)), _full((1, _H)),
            _full((_H, _H)), _full((1, _H)),
            _full((_H, _DIN)), _full((1, _DIN)),
        ],
        out_specs=[
            pl.BlockSpec((_BS, _DIN), lambda i: (i, 0)),
            pl.BlockSpec((_BS, _DC), lambda i: (i, 0)),
            pl.BlockSpec((1, 8, 128), lambda i: (i, 0, 0)),
        ],
        out_shape=[
            jax.ShapeDtypeStruct((_B, _DIN), jnp.float32),
            jax.ShapeDtypeStruct((_B, _DC), jnp.float32),
            jax.ShapeDtypeStruct((_NB, 8, 128), jnp.float32),
        ],
        compiler_params=pltpu.CompilerParams(
            dimension_semantics=("arbitrary",),
        ),
    )(z, e, dec_w1, dec_b1, dec_w2, dec_b2, dec_w3, dec_b3)

    loss = jnp.sum(loss_parts[:, 0, 0]) / (_B * _DC)
    return dec, zq, loss, loss


def kernel(x, enc_w1, enc_b1, enc_w2, enc_b2, enc_w3, enc_b3, codebook,
           dec_w1, dec_b1, dec_w2, dec_b2, dec_w3, dec_b3):
    return _vqvae(
        x, enc_w1, enc_b1.reshape(1, -1), enc_w2, enc_b2.reshape(1, -1),
        enc_w3, enc_b3.reshape(1, -1), codebook,
        dec_w1, dec_b1.reshape(1, -1), dec_w2, dec_b2.reshape(1, -1),
        dec_w3, dec_b3.reshape(1, -1))

# --- scband reference (transcript-rebuilt; emitter-appended) ---
"""Pipeline reference for scband-vqvae-62216896250292 (READ-ONLY COPY).

The authoritative reference and input builder live on the scoring server;
editing this copy changes nothing except your own understanding.
"""

import jax, jax.numpy as jnp
import numpy as np

B, DIN, H, DC, K = 16384, 512, 256, 32, 1024


def setup_inputs(seed: int = 0) -> dict:
    key = jax.random.key(seed)
    ks = jax.random.split(key, 16)

    def w(k, shp):
        fan_in = shp[0]
        return jax.random.normal(k, shp, dtype=jnp.float32) * (1.0 / np.sqrt(fan_in))

    return {
        "x": jax.random.normal(ks[0], (B, DIN), dtype=jnp.float32),
        "enc_w1": w(ks[1], (DIN, H)), "enc_b1": jnp.zeros((H,), jnp.float32),
        "enc_w2": w(ks[2], (H, H)),   "enc_b2": jnp.zeros((H,), jnp.float32),
        "enc_w3": w(ks[3], (H, DC)),  "enc_b3": jnp.zeros((DC,), jnp.float32),
        "codebook": jax.random.normal(ks[4], (K, DC), dtype=jnp.float32) * (1.0 / np.sqrt(DC)),
        "dec_w1": w(ks[5], (DC, H)),  "dec_b1": jnp.zeros((H,), jnp.float32),
        "dec_w2": w(ks[6], (H, H)),   "dec_b2": jnp.zeros((H,), jnp.float32),
        "dec_w3": w(ks[7], (H, DIN)), "dec_b3": jnp.zeros((DIN,), jnp.float32),
    }


def reference(x, enc_w1, enc_b1, enc_w2, enc_b2, enc_w3, enc_b3, codebook,
              dec_w1, dec_b1, dec_w2, dec_b2, dec_w3, dec_b3):
    # encoder: MLP with 2 hidden layers
    h = jax.nn.relu(x @ enc_w1 + enc_b1)
    h = jax.nn.relu(h @ enc_w2 + enc_b2)
    z = h @ enc_w3 + enc_b3  # [B, DC]

    # vector quantizer: nearest codebook vector per row
    d = (jnp.sum(z * z, axis=1, keepdims=True)
         - 2.0 * (z @ codebook.T)
         + jnp.sum(codebook * codebook, axis=1)[None, :])  # [B, K]
    encoding_indices = jnp.argmin(d, axis=1)  # [B]
    e = jnp.take(codebook, encoding_indices, axis=0)  # gather [B, DC]

    dictionary_loss = jnp.mean((jax.lax.stop_gradient(z) - e) ** 2)
    commitment_loss = jnp.mean((z - jax.lax.stop_gradient(e)) ** 2)

    # straight-through estimator
    z_quantized = z + jax.lax.stop_gradient(e - z)

    # decoder: MLP with 2 hidden layers
    g = jax.nn.relu(z_quantized @ dec_w1 + dec_b1)
    g = jax.nn.relu(g @ dec_w2 + dec_b2)
    dec = g @ dec_w3 + dec_b3  # [B, DIN]

    return (dec, z_quantized, dictionary_loss, commitment_loss)

if __name__ == "__main__":
    import jax
    _d = setup_inputs()
    print(jax.jit(kernel)(*tuple(_d.values())))

</pallas_src>

<mosaic_0001>
#map = affine_map<(d0, d1) -> (0, 0)>
#map1 = affine_map<(d0, d1) -> (0, 0, 0)>
module attributes {stable_mosaic.version = 14 : i64} {
  func.func @_sc_gather_body(%arg0: i32, %arg1: i32, %arg2: memref<1024x32xf32, #tpu.memory_space<hbm>>, %arg3: memref<32x4x128xi32, #tpu.memory_space<hbm>>, %arg4: memref<16384x32xf32, #tpu.memory_space<hbm>>, %arg5: memref<4x128xi32, #tpu.memory_space<vmem>>, %arg6: memref<4x128x32xf32, #tpu.memory_space<vmem>>, %arg7: memref<!tpu.dma_semaphore, #tpu.memory_space<semaphore_mem>>) attributes {dimension_semantics = [#tpu.dimension_semantics<core_parallel>, #tpu.dimension_semantics<subcore_parallel>], iteration_bounds = array<i64: 2, 16>, scalar_prefetch = 0 : i64, scratch_operands = 3 : i64, tpu.core_type = #tpu.core_type<sc_vector_subcore>, window_params = [{transform_indices = #map}, {transform_indices = #map1}, {transform_indices = #map}]} {
    %mul3A = arith.constant 2 : i32
    %mul3A_0 = arith.muli %arg1, %mul3A : i32
    %add3A = arith.addi %mul3A_0, %arg0 : i32
    %mul3A_1 = arith.constant 512 : i32
    %mul3A_2 = arith.muli %add3A, %mul3A_1 : i32
    "tpu.region"() ({
      %run_scoped3A_108 = tpu.sem_alloc : memref<!tpu.dma_semaphore, #tpu.memory_space<semaphore_mem>>
      %dma_start3A_109 = arith.constant 0 : i32
      %dma_start3A_110 = arith.constant 0 : i32
      %dma_start3A_111 = tpu.memref_slice %arg3[%add3A, %dma_start3A_109, %dma_start3A_110] : memref<32x4x128xi32, #tpu.memory_space<hbm>> -> memref<1x4x128xi32, #tpu.memory_space<hbm>>
      %dma_start3A_112 = tpu.memref_squeeze %dma_start3A_111 : memref<1x4x128xi32, #tpu.memory_space<hbm>> -> memref<4x128xi32, #tpu.memory_space<hbm>>
      %dma_start3A_113 = arith.constant 0 : i32
      %dma_start3A_114 = arith.constant 0 : i32
      %dma_start3A_115 = tpu.memref_slice %arg3[%add3A, %dma_start3A_113, %dma_start3A_114] : memref<32x4x128xi32, #tpu.memory_space<hbm>> -> memref<1x4x128xi32, #tpu.memory_space<hbm>>
      %dma_start3A_116 = tpu.memref_squeeze %dma_start3A_115 : memref<1x4x128xi32, #tpu.memory_space<hbm>> -> memref<4x128xi32, #tpu.memory_space<hbm>>
      tpu.enqueue_dma source(%dma_start3A_116 : memref<4x128xi32, #tpu.memory_space<hbm>>) target(%arg5 : memref<4x128xi32, #tpu.memory_space<vmem>>) target_semaphore(%run_scoped3A_108 : memref<!tpu.dma_semaphore, #tpu.memory_space<semaphore_mem>>)
      %dma_wait3A_117 = arith.constant 0 : i32
      %dma_wait3A_118 = arith.constant 0 : i32
      %dma_wait3A_119 = tpu.memref_slice %arg3[%add3A, %dma_wait3A_117, %dma_wait3A_118] : memref<32x4x128xi32, #tpu.memory_space<hbm>> -> memref<1x4x128xi32, #tpu.memory_space<hbm>>
      %dma_wait3A_120 = tpu.memref_squeeze %dma_wait3A_119 : memref<1x4x128xi32, #tpu.memory_space<hbm>> -> memref<4x128xi32, #tpu.memory_space<hbm>>
      %dma_wait3A_121 = arith.constant 0 : i32
      %dma_wait3A_122 = arith.constant 0 : i32
      %dma_wait3A_123 = tpu.memref_slice %arg3[%add3A, %dma_wait3A_121, %dma_wait3A_122] : memref<32x4x128xi32, #tpu.memory_space<hbm>> -> memref<1x4x128xi32, #tpu.memory_space<hbm>>
      %dma_wait3A_124 = tpu.memref_squeeze %dma_wait3A_123 : memref<1x4x128xi32, #tpu.memory_space<hbm>> -> memref<4x128xi32, #tpu.memory_space<hbm>>
      tpu.wait_dma2 semaphore(%run_scoped3A_108 : memref<!tpu.dma_semaphore, #tpu.memory_space<semaphore_mem>>) src(%dma_wait3A_124 : memref<4x128xi32, #tpu.memory_space<hbm>>) dst(%arg5 : memref<4x128xi32, #tpu.memory_space<vmem>>)
      tpu.yield
    }) : () -> ()
    %dma_start3A = arith.constant 0 : i32
    %dma_start3A_3 = arith.constant 0 : i32
    %dma_start3A_4 = arith.constant 0 : i32
    %dma_start3A_5 = arith.constant 0 : i32
    %dma_start3A_6 = tpu.memref_slice %arg6[%dma_start3A_3, %dma_start3A_4, %dma_start3A_5] : memref<4x128x32xf32, #tpu.memory_space<vmem>> -> memref<1x128x32xf32, #tpu.memory_space<vmem>>
    %dma_start3A_7 = tpu.memref_squeeze %dma_start3A_6 : memref<1x128x32xf32, #tpu.memory_space<vmem>> -> memref<128x32xf32, #tpu.memory_space<vmem>>
    %dma_start3A_8 = arith.constant 0 : i32
    %dma_start3A_9 = tpu.memref_slice %arg5[%dma_start3A, %dma_start3A_8] : memref<4x128xi32, #tpu.memory_space<vmem>> -> memref<1x128xi32, #tpu.memory_space<vmem>>
    %dma_start3A_10 = tpu.memref_squeeze %dma_start3A_9 : memref<1x128xi32, #tpu.memory_space<vmem>> -> memref<128xi32, #tpu.memory_space<vmem>>
    %dma_start3A_11 = arith.constant 0 : i32
    %dma_start3A_12 = arith.constant 0 : i32
    %dma_start3A_13 = tpu.memref_slice %arg2[%dma_start3A_11, %dma_start3A_12] : memref<1024x32xf32, #tpu.memory_space<hbm>> -> memref<1024x32xf32, #tpu.memory_space<hbm>>
    tpu.enqueue_indirect_dma source(%dma_start3A_13 : memref<1024x32xf32, #tpu.memory_space<hbm>>) target(%dma_start3A_7 : memref<128x32xf32, #tpu.memory_space<vmem>>) offsets(%dma_start3A_10 : memref<128xi32, #tpu.memory_space<vmem>>) semaphore(%arg7 : memref<!tpu.dma_semaphore, #tpu.memory_space<semaphore_mem>>)
    %dma_start3A_14 = arith.constant 1 : i32
    %dma_start3A_15 = arith.constant 1 : i32
    %dma_start3A_16 = arith.constant 0 : i32
    %dma_start3A_17 = arith.constant 0 : i32
    %dma_start3A_18 = tpu.memref_slice %arg6[%dma_start3A_15, %dma_start3A_16, %dma_start3A_17] : memref<4x128x32xf32, #tpu.memory_space<vmem>> -> memref<1x128x32xf32, #tpu.memory_space<vmem>>
    %dma_start3A_19 = tpu.memref_squeeze %dma_start3A_18 : memref<1x128x32xf32, #tpu.memory_space<vmem>> -> memref<128x32xf32, #tpu.memory_space<vmem>>
    %dma_start3A_20 = arith.constant 0 : i32
    %dma_start3A_21 = tpu.memref_slice %arg5[%dma_start3A_14, %dma_start3A_20] : memref<4x128xi32, #tpu.memory_space<vmem>> -> memref<1x128xi32, #tpu.memory_space<vmem>>
    %dma_start3A_22 = tpu.memref_squeeze %dma_start3A_21 : memref<1x128xi32, #tpu.memory_space<vmem>> -> memref<128xi32, #tpu.memory_space<vmem>>
    %dma_start3A_23 = arith.constant 0 : i32
    %dma_start3A_24 = arith.constant 0 : i32
    %dma_start3A_25 = tpu.memref_slice %arg2[%dma_start3A_23, %dma_start3A_24] : memref<1024x32xf32, #tpu.memory_space<hbm>> -> memref<1024x32xf32, #tpu.memory_space<hbm>>
    tpu.enqueue_indirect_dma source(%dma_start3A_25 : memref<1024x32xf32, #tpu.memory_space<hbm>>) target(%dma_start3A_19 : memref<128x32xf32, #tpu.memory_space<vmem>>) offsets(%dma_start3A_22 : memref<128xi32, #tpu.memory_space<vmem>>) semaphore(%arg7 : memref<!tpu.dma_semaphore, #tpu.memory_space<semaphore_mem>>)
    %dma_start3A_26 = arith.constant 2 : i32
    %dma_start3A_27 = arith.constant 2 : i32
    %dma_start3A_28 = arith.constant 0 : i32
    %dma_start3A_29 = arith.constant 0 : i32
    %dma_start3A_30 = tpu.memref_slice %arg6[%dma_start3A_27, %dma_start3A_28, %dma_start3A_29] : memref<4x128x32xf32, #tpu.memory_space<vmem>> -> memref<1x128x32xf32, #tpu.memory_space<vmem>>
    %dma_start3A_31 = tpu.memref_squeeze %dma_start3A_30 : memref<1x128x32xf32, #tpu.memory_space<vmem>> -> memref<128x32xf32, #tpu.memory_space<vmem>>
    %dma_start3A_32 = arith.constant 0 : i32
    %dma_start3A_33 = tpu.memref_slice %arg5[%dma_start3A_26, %dma_start3A_32] : memref<4x128xi32, #tpu.memory_space<vmem>> -> memref<1x128xi32, #tpu.memory_space<vmem>>
    %dma_start3A_34 = tpu.memref_squeeze %dma_start3A_33 : memref<1x128xi32, #tpu.memory_space<vmem>> -> memref<128xi32, #tpu.memory_space<vmem>>
    %dma_start3A_35 = arith.constant 0 : i32
    %dma_start3A_36 = arith.constant 0 : i32
    %dma_start3A_37 = tpu.memref_slice %arg2[%dma_start3A_35, %dma_start3A_36] : memref<1024x32xf32, #tpu.memory_space<hbm>> -> memref<1024x32xf32, #tpu.memory_space<hbm>>
    tpu.enqueue_indirect_dma source(%dma_start3A_37 : memref<1024x32xf32, #tpu.memory_space<hbm>>) target(%dma_start3A_31 : memref<128x32xf32, #tpu.memory_space<vmem>>) offsets(%dma_start3A_34 : memref<128xi32, #tpu.memory_space<vmem>>) semaphore(%arg7 : memref<!tpu.dma_semaphore, #tpu.memory_space<semaphore_mem>>)
    %dma_start3A_38 = arith.constant 3 : i32
    %dma_start3A_39 = arith.constant 3 : i32
    %dma_start3A_40 = arith.constant 0 : i32
    %dma_start3A_41 = arith.constant 0 : i32
    %dma_start3A_42 = tpu.memref_slice %arg6[%dma_start3A_39, %dma_start3A_40, %dma_start3A_41] : memref<4x128x32xf32, #tpu.memory_space<vmem>> -> memref<1x128x32xf32, #tpu.memory_space<vmem>>
    %dma_start3A_43 = tpu.memref_squeeze %dma_start3A_42 : memref<1x128x32xf32, #tpu.memory_space<vmem>> -> memref<128x32xf32, #tpu.memory_space<vmem>>
    %dma_start3A_44 = arith.constant 0 : i32
    %dma_start3A_45 = tpu.memref_slice %arg5[%dma_start3A_38, %dma_start3A_44] : memref<4x128xi32, #tpu.memory_space<vmem>> -> memref<1x128xi32, #tpu.memory_space<vmem>>
    %dma_start3A_46 = tpu.memref_squeeze %dma_start3A_45 : memref<1x128xi32, #tpu.memory_space<vmem>> -> memref<128xi32, #tpu.memory_space<vmem>>
    %dma_start3A_47 = arith.constant 0 : i32
    %dma_start3A_48 = arith.constant 0 : i32
    %dma_start3A_49 = tpu.memref_slice %arg2[%dma_start3A_47, %dma_start3A_48] : memref<1024x32xf32, #tpu.memory_space<hbm>> -> memref<1024x32xf32, #tpu.memory_space<hbm>>
    tpu.enqueue_indirect_dma source(%dma_start3A_49 : memref<1024x32xf32, #tpu.memory_space<hbm>>) target(%dma_start3A_43 : memref<128x32xf32, #tpu.memory_space<vmem>>) offsets(%dma_start3A_46 : memref<128xi32, #tpu.memory_space<vmem>>) semaphore(%arg7 : memref<!tpu.dma_semaphore, #tpu.memory_space<semaphore_mem>>)
    %dma_wait3A = arith.constant 0 : i32
    %dma_wait3A_50 = arith.constant 0 : i32
    %dma_wait3A_51 = arith.constant 0 : i32
    %dma_wait3A_52 = arith.constant 0 : i32
    %dma_wait3A_53 = tpu.memref_slice %arg6[%dma_wait3A_50, %dma_wait3A_51, %dma_wait3A_52] : memref<4x128x32xf32, #tpu.memory_space<vmem>> -> memref<1x128x32xf32, #tpu.memory_space<vmem>>
    %dma_wait3A_54 = tpu.memref_squeeze %dma_wait3A_53 : memref<1x128x32xf32, #tpu.memory_space<vmem>> -> memref<128x32xf32, #tpu.memory_space<vmem>>
    %dma_wait3A_55 = arith.constant 0 : i32
    %dma_wait3A_56 = tpu.memref_slice %arg5[%dma_wait3A, %dma_wait3A_55] : memref<4x128xi32, #tpu.memory_space<vmem>> -> memref<1x128xi32, #tpu.memory_space<vmem>>
    %dma_wait3A_57 = tpu.memref_squeeze %dma_wait3A_56 : memref<1x128xi32, #tpu.memory_space<vmem>> -> memref<128xi32, #tpu.memory_space<vmem>>
    %dma_wait3A_58 = arith.constant 0 : i32
    %dma_wait3A_59 = arith.constant 0 : i32
    %dma_wait3A_60 = tpu.memref_slice %arg2[%dma_wait3A_58, %dma_wait3A_59] : memref<1024x32xf32, #tpu.memory_space<hbm>> -> memref<1024x32xf32, #tpu.memory_space<hbm>>
    tpu.wait_indirect_dma semaphore(%arg7 : memref<!tpu.dma_semaphore, #tpu.memory_space<semaphore_mem>>) src(%dma_wait3A_60 : memref<1024x32xf32, #tpu.memory_space<hbm>>) dst(%dma_wait3A_54 : memref<128x32xf32, #tpu.memory_space<vmem>>)
    %dma_wait3A_61 = arith.constant 1 : i32
    %dma_wait3A_62 = arith.constant 1 : i32
    %dma_wait3A_63 = arith.constant 0 : i32
    %dma_wait3A_64 = arith.constant 0 : i32
    %dma_wait3A_65 = tpu.memref_slice %arg6[%dma_wait3A_62, %dma_wait3A_63, %dma_wait3A_64] : memref<4x128x32xf32, #tpu.memory_space<vmem>> -> memref<1x128x32xf32, #tpu.memory_space<vmem>>
    %dma_wait3A_66 = tpu.memref_squeeze %dma_wait3A_65 : memref<1x128x32xf32, #tpu.memory_space<vmem>> -> memref<128x32xf32, #tpu.memory_space<vmem>>
    %dma_wait3A_67 = arith.constant 0 : i32
    %dma_wait3A_68 = tpu.memref_slice %arg5[%dma_wait3A_61, %dma_wait3A_67] : memref<4x128xi32, #tpu.memory_space<vmem>> -> memref<1x128xi32, #tpu.memory_space<vmem>>
    %dma_wait3A_69 = tpu.memref_squeeze %dma_wait3A_68 : memref<1x128xi32, #tpu.memory_space<vmem>> -> memref<128xi32, #tpu.memory_space<vmem>>
    %dma_wait3A_70 = arith.constant 0 : i32
    %dma_wait3A_71 = arith.constant 0 : i32
    %dma_wait3A_72 = tpu.memref_slice %arg2[%dma_wait3A_70, %dma_wait3A_71] : memref<1024x32xf32, #tpu.memory_space<hbm>> -> memref<1024x32xf32, #tpu.memory_space<hbm>>
    tpu.wait_indirect_dma semaphore(%arg7 : memref<!tpu.dma_semaphore, #tpu.memory_space<semaphore_mem>>) src(%dma_wait3A_72 : memref<1024x32xf32, #tpu.memory_space<hbm>>) dst(%dma_wait3A_66 : memref<128x32xf32, #tpu.memory_space<vmem>>)
    %dma_wait3A_73 = arith.constant 2 : i32
    %dma_wait3A_74 = arith.constant 2 : i32
    %dma_wait3A_75 = arith.constant 0 : i32
    %dma_wait3A_76 = arith.constant 0 : i32
    %dma_wait3A_77 = tpu.memref_slice %arg6[%dma_wait3A_74, %dma_wait3A_75, %dma_wait3A_76] : memref<4x128x32xf32, #tpu.memory_space<vmem>> -> memref<1x128x32xf32, #tpu.memory_space<vmem>>
    %dma_wait3A_78 = tpu.memref_squeeze %dma_wait3A_77 : memref<1x128x32xf32, #tpu.memory_space<vmem>> -> memref<128x32xf32, #tpu.memory_space<vmem>>
    %dma_wait3A_79 = arith.constant 0 : i32
    %dma_wait3A_80 = tpu.memref_slice %arg5[%dma_wait3A_73, %dma_wait3A_79] : memref<4x128xi32, #tpu.memory_space<vmem>> -> memref<1x128xi32, #tpu.memory_space<vmem>>
    %dma_wait3A_81 = tpu.memref_squeeze %dma_wait3A_80 : memref<1x128xi32, #tpu.memory_space<vmem>> -> memref<128xi32, #tpu.memory_space<vmem>>
    %dma_wait3A_82 = arith.constant 0 : i32
    %dma_wait3A_83 = arith.constant 0 : i32
    %dma_wait3A_84 = tpu.memref_slice %arg2[%dma_wait3A_82, %dma_wait3A_83] : memref<1024x32xf32, #tpu.memory_space<hbm>> -> memref<1024x32xf32, #tpu.memory_space<hbm>>
    tpu.wait_indirect_dma semaphore(%arg7 : memref<!tpu.dma_semaphore, #tpu.memory_space<semaphore_mem>>) src(%dma_wait3A_84 : memref<1024x32xf32, #tpu.memory_space<hbm>>) dst(%dma_wait3A_78 : memref<128x32xf32, #tpu.memory_space<vmem>>)
    %dma_wait3A_85 = arith.constant 3 : i32
    %dma_wait3A_86 = arith.constant 3 : i32
    %dma_wait3A_87 = arith.constant 0 : i32
    %dma_wait3A_88 = arith.constant 0 : i32
    %dma_wait3A_89 = tpu.memref_slice %arg6[%dma_wait3A_86, %dma_wait3A_87, %dma_wait3A_88] : memref<4x128x32xf32, #tpu.memory_space<vmem>> -> memref<1x128x32xf32, #tpu.memory_space<vmem>>
    %dma_wait3A_90 = tpu.memref_squeeze %dma_wait3A_89 : memref<1x128x32xf32, #tpu.memory_space<vmem>> -> memref<128x32xf32, #tpu.memory_space<vmem>>
    %dma_wait3A_91 = arith.constant 0 : i32
    %dma_wait3A_92 = tpu.memref_slice %arg5[%dma_wait3A_85, %dma_wait3A_91] : memref<4x128xi32, #tpu.memory_space<vmem>> -> memref<1x128xi32, #tpu.memory_space<vmem>>
    %dma_wait3A_93 = tpu.memref_squeeze %dma_wait3A_92 : memref<1x128xi32, #tpu.memory_space<vmem>> -> memref<128xi32, #tpu.memory_space<vmem>>
    %dma_wait3A_94 = arith.constant 0 : i32
    %dma_wait3A_95 = arith.constant 0 : i32
    %dma_wait3A_96 = tpu.memref_slice %arg2[%dma_wait3A_94, %dma_wait3A_95] : memref<1024x32xf32, #tpu.memory_space<hbm>> -> memref<1024x32xf32, #tpu.memory_space<hbm>>
    tpu.wait_indirect_dma semaphore(%arg7 : memref<!tpu.dma_semaphore, #tpu.memory_space<semaphore_mem>>) src(%dma_wait3A_96 : memref<1024x32xf32, #tpu.memory_space<hbm>>) dst(%dma_wait3A_90 : memref<128x32xf32, #tpu.memory_space<vmem>>)
    %add3A_97 = arith.constant 0 : i32
    %add3A_98 = arith.addi %mul3A_2, %add3A_97 : i32
    %run_scoped3A = arith.constant 0 : i32
    "tpu.region"() ({
      %run_scoped3A_108 = tpu.sem_alloc : memref<!tpu.dma_semaphore, #tpu.memory_space<semaphore_mem>>
      %dma_start3A_109 = arith.constant 0 : i32
      %dma_start3A_110 = arith.constant 0 : i32
      %dma_start3A_111 = tpu.memref_slice %arg6[%run_scoped3A, %dma_start3A_109, %dma_start3A_110] : memref<4x128x32xf32, #tpu.memory_space<vmem>> -> memref<1x128x32xf32, #tpu.memory_space<vmem>>
      %dma_start3A_112 = tpu.memref_squeeze %dma_start3A_111 : memref<1x128x32xf32, #tpu.memory_space<vmem>> -> memref<128x32xf32, #tpu.memory_space<vmem>>
      %dma_start3A_113 = arith.constant 0 : i32
      %dma_start3A_114 = tpu.memref_slice %arg4[%add3A_98, %dma_start3A_113] : memref<16384x32xf32, #tpu.memory_space<hbm>> -> memref<128x32xf32, #tpu.memory_space<hbm>>
      %dma_start3A_115 = arith.constant 0 : i32
      %dma_start3A_116 = tpu.memref_slice %arg4[%add3A_98, %dma_start3A_115] : memref<16384x32xf32, #tpu.memory_space<hbm>> -> memref<128x32xf32, #tpu.memory_space<hbm>>
      %dma_start3A_117 = arith.constant 0 : i32
      %dma_start3A_118 = arith.constant 0 : i32
      %dma_start3A_119 = tpu.memref_slice %arg6[%run_scoped3A, %dma_start3A_117, %dma_start3A_118] : memref<4x128x32xf32, #tpu.memory_space<vmem>> -> memref<1x128x32xf32, #tpu.memory_space<vmem>>
      %dma_start3A_120 = tpu.memref_squeeze %dma_start3A_119 : memref<1x128x32xf32, #tpu.memory_space<vmem>> -> memref<128x32xf32, #tpu.memory_space<vmem>>
      tpu.enqueue_dma source(%dma_start3A_120 : memref<128x32xf32, #tpu.memory_space<vmem>>) target(%dma_start3A_116 : memref<128x32xf32, #tpu.memory_space<hbm>>) target_semaphore(%run_scoped3A_108 : memref<!tpu.dma_semaphore, #tpu.memory_space<semaphore_mem>>)
      %dma_wait3A_121 = arith.constant 0 : i32
      %dma_wait3A_122 = arith.constant 0 : i32
      %dma_wait3A_123 = tpu.memref_slice %arg6[%run_scoped3A, %dma_wait3A_121, %dma_wait3A_122] : memref<4x128x32xf32, #tpu.memory_space<vmem>> -> memref<1x128x32xf32, #tpu.memory_space<vmem>>
      %dma_wait3A_124 = tpu.memref_squeeze %dma_wait3A_123 : memref<1x128x32xf32, #tpu.memory_space<vmem>> -> memref<128x32xf32, #tpu.memory_space<vmem>>
      %dma_wait3A_125 = arith.constant 0 : i32
      %dma_wait3A_126 = tpu.memref_slice %arg4[%add3A_98, %dma_wait3A_125] : memref<16384x32xf32, #tpu.memory_space<hbm>> -> memref<128x32xf32, #tpu.memory_space<hbm>>
      %dma_wait3A_127 = arith.constant 0 : i32
      %dma_wait3A_128 = tpu.memref_slice %arg4[%add3A_98, %dma_wait3A_127] : memref<16384x32xf32, #tpu.memory_space<hbm>> -> memref<128x32xf32, #tpu.memory_space<hbm>>
      %dma_wait3A_129 = arith.constant 0 : i32
      %dma_wait3A_130 = arith.constant 0 : i32
      %dma_wait3A_131 = tpu.memref_slice %arg6[%run_scoped3A, %dma_wait3A_129, %dma_wait3A_130] : memref<4x128x32xf32, #tpu.memory_space<vmem>> -> memref<1x128x32xf32, #tpu.memory_space<vmem>>
      %dma_wait3A_132 = tpu.memref_squeeze %dma_wait3A_131 : memref<1x128x32xf32, #tpu.memory_space<vmem>> -> memref<128x32xf32, #tpu.memory_space<vmem>>
      tpu.wait_dma2 semaphore(%run_scoped3A_108 : memref<!tpu.dma_semaphore, #tpu.memory_space<semaphore_mem>>) src(%dma_wait3A_132 : memref<128x32xf32, #tpu.memory_space<vmem>>) dst(%dma_wait3A_128 : memref<128x32xf32, #tpu.memory_space<hbm>>)
      tpu.yield
    }) : () -> ()
    %add3A_99 = arith.constant 128 : i32
    %add3A_100 = arith.addi %mul3A_2, %add3A_99 : i32
    %run_scoped3A_101 = arith.constant 1 : i32
    "tpu.region"() ({
      %run_scoped3A_108 = tpu.sem_alloc : memref<!tpu.dma_semaphore, #tpu.memory_space<semaphore_mem>>
      %dma_start3A_109 = arith.constant 0 : i32
      %dma_start3A_110 = arith.constant 0 : i32
      %dma_start3A_111 = tpu.memref_slice %arg6[%run_scoped3A_101, %dma_start3A_109, %dma_start3A_110] : memref<4x128x32xf32, #tpu.memory_space<vmem>> -> memref<1x128x32xf32, #tpu.memory_space<vmem>>
      %dma_start3A_112 = tpu.memref_squeeze %dma_start3A_111 : memref<1x128x32xf32, #tpu.memory_space<vmem>> -> memref<128x32xf32, #tpu.memory_space<vmem>>
      %dma_start3A_113 = arith.constant 0 : i32
      %dma_start3A_114 = tpu.memref_slice %arg4[%add3A_100, %dma_start3A_113] : memref<16384x32xf32, #tpu.memory_space<hbm>> -> memref<128x32xf32, #tpu.memory_space<hbm>>
      %dma_start3A_115 = arith.constant 0 : i32
      %dma_start3A_116 = tpu.memref_slice %arg4[%add3A_100, %dma_start3A_115] : memref<16384x32xf32, #tpu.memory_space<hbm>> -> memref<128x32xf32, #tpu.memory_space<hbm>>
      %dma_start3A_117 = arith.constant 0 : i32
      %dma_start3A_118 = arith.constant 0 : i32
      %dma_start3A_119 = tpu.memref_slice %arg6[%run_scoped3A_101, %dma_start3A_117, %dma_start3A_118] : memref<4x128x32xf32, #tpu.memory_space<vmem>> -> memref<1x128x32xf32, #tpu.memory_space<vmem>>
      %dma_start3A_120 = tpu.memref_squeeze %dma_start3A_119 : memref<1x128x32xf32, #tpu.memory_space<vmem>> -> memref<128x32xf32, #tpu.memory_space<vmem>>
      tpu.enqueue_dma source(%dma_start3A_120 : memref<128x32xf32, #tpu.memory_space<vmem>>) target(%dma_start3A_116 : memref<128x32xf32, #tpu.memory_space<hbm>>) target_semaphore(%run_scoped3A_108 : memref<!tpu.dma_semaphore, #tpu.memory_space<semaphore_mem>>)
      %dma_wait3A_121 = arith.constant 0 : i32
      %dma_wait3A_122 = arith.constant 0 : i32
      %dma_wait3A_123 = tpu.memref_slice %arg6[%run_scoped3A_101, %dma_wait3A_121, %dma_wait3A_122] : memref<4x128x32xf32, #tpu.memory_space<vmem>> -> memref<1x128x32xf32, #tpu.memory_space<vmem>>
      %dma_wait3A_124 = tpu.memref_squeeze %dma_wait3A_123 : memref<1x128x32xf32, #tpu.memory_space<vmem>> -> memref<128x32xf32, #tpu.memory_space<vmem>>
      %dma_wait3A_125 = arith.constant 0 : i32
      %dma_wait3A_126 = tpu.memref_slice %arg4[%add3A_100, %dma_wait3A_125] : memref<16384x32xf32, #tpu.memory_space<hbm>> -> memref<128x32xf32, #tpu.memory_space<hbm>>
      %dma_wait3A_127 = arith.constant 0 : i32
      %dma_wait3A_128 = tpu.memref_slice %arg4[%add3A_100, %dma_wait3A_127] : memref<16384x32xf32, #tpu.memory_space<hbm>> -> memref<128x32xf32, #tpu.memory_space<hbm>>
      %dma_wait3A_129 = arith.constant 0 : i32
      %dma_wait3A_130 = arith.constant 0 : i32
      %dma_wait3A_131 = tpu.memref_slice %arg6[%run_scoped3A_101, %dma_wait3A_129, %dma_wait3A_130] : memref<4x128x32xf32, #tpu.memory_space<vmem>> -> memref<1x128x32xf32, #tpu.memory_space<vmem>>
      %dma_wait3A_132 = tpu.memref_squeeze %dma_wait3A_131 : memref<1x128x32xf32, #tpu.memory_space<vmem>> -> memref<128x32xf32, #tpu.memory_space<vmem>>
      tpu.wait_dma2 semaphore(%run_scoped3A_108 : memref<!tpu.dma_semaphore, #tpu.memory_space<semaphore_mem>>) src(%dma_wait3A_132 : memref<128x32xf32, #tpu.memory_space<vmem>>) dst(%dma_wait3A_128 : memref<128x32xf32, #tpu.memory_space<hbm>>)
      tpu.yield
    }) : () -> ()
    %add3A_102 = arith.constant 256 : i32
    %add3A_103 = arith.addi %mul3A_2, %add3A_102 : i32
    %run_scoped3A_104 = arith.constant 2 : i32
    "tpu.region"() ({
      %run_scoped3A_108 = tpu.sem_alloc : memref<!tpu.dma_semaphore, #tpu.memory_space<semaphore_mem>>
      %dma_start3A_109 = arith.constant 0 : i32
      %dma_start3A_110 = arith.constant 0 : i32
      %dma_start3A_111 = tpu.memref_slice %arg6[%run_scoped3A_104, %dma_start3A_109, %dma_start3A_110] : memref<4x128x32xf32, #tpu.memory_space<vmem>> -> memref<1x128x32xf32, #tpu.memory_space<vmem>>
      %dma_start3A_112 = tpu.memref_squeeze %dma_start3A_111 : memref<1x128x32xf32, #tpu.memory_space<vmem>> -> memref<128x32xf32, #tpu.memory_space<vmem>>
      %dma_start3A_113 = arith.constant 0 : i32
      %dma_start3A_114 = tpu.memref_slice %arg4[%add3A_103, %dma_start3A_113] : memref<16384x32xf32, #tpu.memory_space<hbm>> -> memref<128x32xf32, #tpu.memory_space<hbm>>
      %dma_start3A_115 = arith.constant 0 : i32
      %dma_start3A_116 = tpu.memref_slice %arg4[%add3A_103, %dma_start3A_115] : memref<16384x32xf32, #tpu.memory_space<hbm>> -> memref<128x32xf32, #tpu.memory_space<hbm>>
      %dma_start3A_117 = arith.constant 0 : i32
      %dma_start3A_118 = arith.constant 0 : i32
      %dma_start3A_119 = tpu.memref_slice %arg6[%run_scoped3A_104, %dma_start3A_117, %dma_start3A_118] : memref<4x128x32xf32, #tpu.memory_space<vmem>> -> memref<1x128x32xf32, #tpu.memory_space<vmem>>
      %dma_start3A_120 = tpu.memref_squeeze %dma_start3A_119 : memref<1x128x32xf32, #tpu.memory_space<vmem>> -> memref<128x32xf32, #tpu.memory_space<vmem>>
      tpu.enqueue_dma source(%dma_start3A_120 : memref<128x32xf32, #tpu.memory_space<vmem>>) target(%dma_start3A_116 : memref<128x32xf32, #tpu.memory_space<hbm>>) target_semaphore(%run_scoped3A_108 : memref<!tpu.dma_semaphore, #tpu.memory_space<semaphore_mem>>)
      %dma_wait3A_121 = arith.constant 0 : i32
      %dma_wait3A_122 = arith.constant 0 : i32
      %dma_wait3A_123 = tpu.memref_slice %arg6[%run_scoped3A_104, %dma_wait3A_121, %dma_wait3A_122] : memref<4x128x32xf32, #tpu.memory_space<vmem>> -> memref<1x128x32xf32, #tpu.memory_space<vmem>>
      %dma_wait3A_124 = tpu.memref_squeeze %dma_wait3A_123 : memref<1x128x32xf32, #tpu.memory_space<vmem>> -> memref<128x32xf32, #tpu.memory_space<vmem>>
      %dma_wait3A_125 = arith.constant 0 : i32
      %dma_wait3A_126 = tpu.memref_slice %arg4[%add3A_103, %dma_wait3A_125] : memref<16384x32xf32, #tpu.memory_space<hbm>> -> memref<128x32xf32, #tpu.memory_space<hbm>>
      %dma_wait3A_127 = arith.constant 0 : i32
      %dma_wait3A_128 = tpu.memref_slice %arg4[%add3A_103, %dma_wait3A_127] : memref<16384x32xf32, #tpu.memory_space<hbm>> -> memref<128x32xf32, #tpu.memory_space<hbm>>
      %dma_wait3A_129 = arith.constant 0 : i32
      %dma_wait3A_130 = arith.constant 0 : i32
      %dma_wait3A_131 = tpu.memref_slice %arg6[%run_scoped3A_104, %dma_wait3A_129, %dma_wait3A_130] : memref<4x128x32xf32, #tpu.memory_space<vmem>> -> memref<1x128x32xf32, #tpu.memory_space<vmem>>
      %dma_wait3A_132 = tpu.memref_squeeze %dma_wait3A_131 : memref<1x128x32xf32, #tpu.memory_space<vmem>> -> memref<128x32xf32, #tpu.memory_space<vmem>>
      tpu.wait_dma2 semaphore(%run_scoped3A_108 : memref<!tpu.dma_semaphore, #tpu.memory_space<semaphore_mem>>) src(%dma_wait3A_132 : memref<128x32xf32, #tpu.memory_space<vmem>>) dst(%dma_wait3A_128 : memref<128x32xf32, #tpu.memory_space<hbm>>)
      tpu.yield
    }) : () -> ()
    %add3A_105 = arith.constant 384 : i32
    %add3A_106 = arith.addi %mul3A_2, %add3A_105 : i32
    %run_scoped3A_107 = arith.constant 3 : i32
    "tpu.region"() ({
      %run_scoped3A_108 = tpu.sem_alloc : memref<!tpu.dma_semaphore, #tpu.memory_space<semaphore_mem>>
      %dma_start3A_109 = arith.constant 0 : i32
      %dma_start3A_110 = arith.constant 0 : i32
      %dma_start3A_111 = tpu.memref_slice %arg6[%run_scoped3A_107, %dma_start3A_109, %dma_start3A_110] : memref<4x128x32xf32, #tpu.memory_space<vmem>> -> memref<1x128x32xf32, #tpu.memory_space<vmem>>
      %dma_start3A_112 = tpu.memref_squeeze %dma_start3A_111 : memref<1x128x32xf32, #tpu.memory_space<vmem>> -> memref<128x32xf32, #tpu.memory_space<vmem>>
      %dma_start3A_113 = arith.constant 0 : i32
      %dma_start3A_114 = tpu.memref_slice %arg4[%add3A_106, %dma_start3A_113] : memref<16384x32xf32, #tpu.memory_space<hbm>> -> memref<128x32xf32, #tpu.memory_space<hbm>>
      %dma_start3A_115 = arith.constant 0 : i32
      %dma_start3A_116 = tpu.memref_slice %arg4[%add3A_106, %dma_start3A_115] : memref<16384x32xf32, #tpu.memory_space<hbm>> -> memref<128x32xf32, #tpu.memory_space<hbm>>
      %dma_start3A_117 = arith.constant 0 : i32
      %dma_start3A_118 = arith.constant 0 : i32
      %dma_start3A_119 = tpu.memref_slice %arg6[%run_scoped3A_107, %dma_start3A_117, %dma_start3A_118] : memref<4x128x32xf32, #tpu.memory_space<vmem>> -> memref<1x128x32xf32, #tpu.memory_space<vmem>>
      %dma_start3A_120 = tpu.memref_squeeze %dma_start3A_119 : memref<1x128x32xf32, #tpu.memory_space<vmem>> -> memref<128x32xf32, #tpu.memory_space<vmem>>
      tpu.enqueue_dma source(%dma_start3A_120 : memref<128x32xf32, #tpu.memory_space<vmem>>) target(%dma_start3A_116 : memref<128x32xf32, #tpu.memory_space<hbm>>) target_semaphore(%run_scoped3A_108 : memref<!tpu.dma_semaphore, #tpu.memory_space<semaphore_mem>>)
      %dma_wait3A_121 = arith.constant 0 : i32
      %dma_wait3A_122 = arith.constant 0 : i32
      %dma_wait3A_123 = tpu.memref_slice %arg6[%run_scoped3A_107, %dma_wait3A_121, %dma_wait3A_122] : memref<4x128x32xf32, #tpu.memory_space<vmem>> -> memref<1x128x32xf32, #tpu.memory_space<vmem>>
      %dma_wait3A_124 = tpu.memref_squeeze %dma_wait3A_123 : memref<1x128x32xf32, #tpu.memory_space<vmem>> -> memref<128x32xf32, #tpu.memory_space<vmem>>
      %dma_wait3A_125 = arith.constant 0 : i32
      %dma_wait3A_126 = tpu.memref_slice %arg4[%add3A_106, %dma_wait3A_125] : memref<16384x32xf32, #tpu.memory_space<hbm>> -> memref<128x32xf32, #tpu.memory_space<hbm>>
      %dma_wait3A_127 = arith.constant 0 : i32
      %dma_wait3A_128 = tpu.memref_slice %arg4[%add3A_106, %dma_wait3A_127] : memref<16384x32xf32, #tpu.memory_space<hbm>> -> memref<128x32xf32, #tpu.memory_space<hbm>>
      %dma_wait3A_129 = arith.constant 0 : i32
      %dma_wait3A_130 = arith.constant 0 : i32
      %dma_wait3A_131 = tpu.memref_slice %arg6[%run_scoped3A_107, %dma_wait3A_129, %dma_wait3A_130] : memref<4x128x32xf32, #tpu.memory_space<vmem>> -> memref<1x128x32xf32, #tpu.memory_space<vmem>>
      %dma_wait3A_132 = tpu.memref_squeeze %dma_wait3A_131 : memref<1x128x32xf32, #tpu.memory_space<vmem>> -> memref<128x32xf32, #tpu.memory_space<vmem>>
      tpu.wait_dma2 semaphore(%run_scoped3A_108 : memref<!tpu.dma_semaphore, #tpu.memory_space<semaphore_mem>>) src(%dma_wait3A_132 : memref<128x32xf32, #tpu.memory_space<vmem>>) dst(%dma_wait3A_128 : memref<128x32xf32, #tpu.memory_space<hbm>>)
      tpu.yield
    }) : () -> ()
    return
  }
}

module attributes {stable_mosaic.version = 14 : i64} {
  func.func @_enc_body(%arg0: i32, %arg1: memref<1024x512xf32, #tpu.memory_space<vmem>>, %arg2: memref<512x256xf32, #tpu.memory_space<vmem>>, %arg3: memref<1x256xf32, #tpu.memory_space<vmem>>, %arg4: memref<256x256xf32, #tpu.memory_space<vmem>>, %arg5: memref<1x256xf32, #tpu.memory_space<vmem>>, %arg6: memref<256x32xf32, #tpu.memory_space<vmem>>, %arg7: memref<1x32xf32, #tpu.memory_space<vmem>>, %arg8: memref<32x1024xf32, #tpu.memory_space<vmem>>, %arg9: memref<1024x32xf32, #tpu.memory_space<vmem>>, %arg10: memref<1024x1xf32, #tpu.memory_space<vmem>>) attributes {dimension_semantics = [#tpu.dimension_semantics<arbitrary>], iteration_bounds = array<i64: 16>, scalar_prefetch = 0 : i64, scratch_operands = 0 : i64, tpu.core_type = #tpu.core_type<tc>, window_params = [{transform_indices = @transform_0, window_bounds = array<i64: 1024, 512>}, {pipeline_mode = #tpu.pipeline_mode<synchronous>, transform_indices = @transform_1, window_bounds = array<i64: 512, 256>}, {pipeline_mode = #tpu.pipeline_mode<synchronous>, transform_indices = @transform_2, window_bounds = array<i64: 1, 256>}, {pipeline_mode = #tpu.pipeline_mode<synchronous>, transform_indices = @transform_3, window_bounds = array<i64: 256, 256>}, {pipeline_mode = #tpu.pipeline_mode<synchronous>, transform_indices = @transform_4, window_bounds = array<i64: 1, 256>}, {pipeline_mode = #tpu.pipeline_mode<synchronous>, transform_indices = @transform_5, window_bounds = array<i64: 256, 32>}, {pipeline_mode = #tpu.pipeline_mode<synchronous>, transform_indices = @transform_6, window_bounds = array<i64: 1, 32>}, {pipeline_mode = #tpu.pipeline_mode<synchronous>, transform_indices = @transform_7, window_bounds = array<i64: 32, 1024>}, {transform_indices = @transform_8, window_bounds = array<i64: 1024, 32>}, {transform_indices = @transform_9, window_bounds = array<i64: 1024, 1>}]} {
    %get3A = arith.constant 0 : index
    %get3A_0 = arith.constant 0 : index
    %get3A_1 = vector.load %arg1[%get3A, %get3A_0] : memref<1024x512xf32, #tpu.memory_space<vmem>>, vector<1024x512xf32>
    %get3A_2 = arith.constant 0 : index
    %get3A_3 = arith.constant 0 : index
    %get3A_4 = vector.load %arg2[%get3A_2, %get3A_3] : memref<512x256xf32, #tpu.memory_space<vmem>>, vector<512x256xf32>
    %dot_general3A = arith.constant dense<0.000000e+00> : vector<1024x256xf32>
    %dot_general3A_5 = tpu.matmul %get3A_1, %get3A_4, %dot_general3A {dimension_numbers = #tpu.dot_dimension_numbers<[1], [0], [0], [1], [0, 0, 1, 1], [], []>, transpose_lhs_hint = false} : vector<1024x512xf32>, vector<512x256xf32>, vector<1024x256xf32> -> vector<1024x256xf32>
    %get3A_6 = arith.constant 0 : index
    %get3A_7 = arith.constant 0 : index
    %get3A_8 = vector.load %arg3[%get3A_6, %get3A_7] : memref<1x256xf32, #tpu.memory_space<vmem>>, vector<1x256xf32>
    %add3A = vector.broadcast %get3A_8 : vector<1x256xf32> to vector<1024x256xf32>
    %add3A_9 = arith.addf %dot_general3A_5, %add3A : vector<1024x256xf32>
    %max3A = arith.constant 0.000000e+00 : f32
    %max3A_10 = vector.broadcast %max3A : f32 to vector<1024x256xf32>
    %max3A_11 = arith.maximumf %add3A_9, %max3A_10 : vector<1024x256xf32>
    %get3A_12 = arith.constant 0 : index
    %get3A_13 = arith.constant 0 : index
    %get3A_14 = vector.load %arg4[%get3A_12, %get3A_13] : memref<256x256xf32, #tpu.memory_space<vmem>>, vector<256x256xf32>
    %dot_general3A_15 = arith.constant dense<0.000000e+00> : vector<1024x256xf32>
    %dot_general3A_16 = tpu.matmul %max3A_11, %get3A_14, %dot_general3A_15 {dimension_numbers = #tpu.dot_dimension_numbers<[1], [0], [0], [1], [0, 0, 1, 1], [], []>, transpose_lhs_hint = false} : vector<1024x256xf32>, vector<256x256xf32>, vector<1024x256xf32> -> vector<1024x256xf32>
    %get3A_17 = arith.constant 0 : index
    %get3A_18 = arith.constant 0 : index
    %get3A_19 = vector.load %arg5[%get3A_17, %get3A_18] : memref<1x256xf32, #tpu.memory_space<vmem>>, vector<1x256xf32>
    %add3A_20 = vector.broadcast %get3A_19 : vector<1x256xf32> to vector<1024x256xf32>
    %add3A_21 = arith.addf %dot_general3A_16, %add3A_20 : vector<1024x256xf32>
    %max3A_22 = arith.constant 0.000000e+00 : f32
    %max3A_23 = vector.broadcast %max3A_22 : f32 to vector<1024x256xf32>
    %max3A_24 = arith.maximumf %add3A_21, %max3A_23 : vector<1024x256xf32>
    %get3A_25 = arith.constant 0 : index
    %get3A_26 = arith.constant 0 : index
    %get3A_27 = vector.load %arg6[%get3A_25, %get3A_26] : memref<256x32xf32, #tpu.memory_space<vmem>>, vector<256x32xf32>
    %dot_general3A_28 = arith.constant dense<0.000000e+00> : vector<1024x32xf32>
    %dot_general3A_29 = tpu.matmul %max3A_24, %get3A_27, %dot_general3A_28 {dimension_numbers = #tpu.dot_dimension_numbers<[1], [0], [0], [1], [0, 0, 1, 1], [], []>, transpose_lhs_hint = false} : vector<1024x256xf32>, vector<256x32xf32>, vector<1024x32xf32> -> vector<1024x32xf32>
    %get3A_30 = arith.constant 0 : index
    %get3A_31 = arith.constant 0 : index
    %get3A_32 = vector.load %arg7[%get3A_30, %get3A_31] : memref<1x32xf32, #tpu.memory_space<vmem>>, vector<1x32xf32>
    %add3A_33 = vector.broadcast %get3A_32 : vector<1x32xf32> to vector<1024x32xf32>
    %add3A_34 = arith.addf %dot_general3A_29, %add3A_33 : vector<1024x32xf32>
    %get3A_35 = arith.constant 0 : index
    %get3A_36 = arith.constant 0 : index
    %get3A_37 = vector.load %arg8[%get3A_35, %get3A_36] : memref<32x1024xf32, #tpu.memory_space<vmem>>, vector<32x1024xf32>
    %mul3A = arith.mulf %get3A_37, %get3A_37 : vector<32x1024xf32>
    %reduce_sum3A = arith.constant dense<0.000000e+00> : vector<1024xf32>
    %reduce_sum3A_38 = vector.multi_reduction <add>, %mul3A, %reduce_sum3A [0] : vector<32x1024xf32> to vector<1024xf32>
    %broadcast_in_dim3A = vector.shape_cast %reduce_sum3A_38 : vector<1024xf32> to vector<1x1024xf32>
    %mul3A_39 = arith.mulf %add3A_34, %add3A_34 : vector<1024x32xf32>
    %reduce_sum3A_40 = arith.constant dense<0.000000e+00> : vector<1024xf32>
    %reduce_sum3A_41 = vector.multi_reduction <add>, %mul3A_39, %reduce_sum3A_40 [1] : vector<1024x32xf32> to vector<1024xf32>
    %broadcast_in_dim3A_42 = vector.shape_cast %reduce_sum3A_41 : vector<1024xf32> to vector<1024x1xf32>
    %dot_general3A_43 = arith.constant dense<0.000000e+00> : vector<1024x1024xf32>
    %dot_general3A_44 = tpu.matmul %add3A_34, %get3A_37, %dot_general3A_43 {dimension_numbers = #tpu.dot_dimension_numbers<[1], [0], [0], [1], [0, 0, 1, 1], [], []>, transpose_lhs_hint = false} : vector<1024x32xf32>, vector<32x1024xf32>, vector<1024x1024xf32> -> vector<1024x1024xf32>
    %mul3A_45 = arith.constant 2.000000e+00 : f32
    %mul3A_46 = vector.broadcast %mul3A_45 : f32 to vector<1024x1024xf32>
    %mul3A_47 = arith.mulf %mul3A_46, %dot_general3A_44 : vector<1024x1024xf32>
    %sub3A = vector.broadcast %broadcast_in_dim3A_42 : vector<1024x1xf32> to vector<1024x1024xf32>
    %sub3A_48 = arith.subf %sub3A, %mul3A_47 : vector<1024x1024xf32>
    %add3A_49 = vector.broadcast %broadcast_in_dim3A : vector<1x1024xf32> to vector<1024x1024xf32>
    %add3A_50 = arith.addf %sub3A_48, %add3A_49 : vector<1024x1024xf32>
    %reduce_min3A = arith.constant dense<0x7F800000> : vector<1024xf32>
    %reduce_min3A_51 = vector.multi_reduction <minimumf>, %add3A_50, %reduce_min3A [1] : vector<1024x1024xf32> to vector<1024xf32>
    %broadcast_in_dim3A_52 = vector.shape_cast %reduce_min3A_51 : vector<1024xf32> to vector<1024x1xf32>
    %iota3A = tpu.iota {dimensions = array<i32: 1>} : vector<1024x1024xi32>
    %convert_element_type3A = arith.sitofp %iota3A : vector<1024x1024xi32> to vector<1024x1024xf32>
    %eq3A = vector.broadcast %broadcast_in_dim3A_52 : vector<1024x1xf32> to vector<1024x1024xf32>
    %eq3A_53 = arith.cmpf oeq, %add3A_50, %eq3A : vector<1024x1024xf32>
    %jit3A = arith.constant 1.024000e+03 : f32
    %broadcast_in_dim3A_54 = vector.broadcast %jit3A : f32 to vector<1024x1024xf32>
    %select_n3A = arith.select %eq3A_53, %convert_element_type3A, %broadcast_in_dim3A_54 : vector<1024x1024xi1>, vector<1024x1024xf32>
    %reduce_min3A_55 = arith.constant dense<0x7F800000> : vector<1024xf32>
    %reduce_min3A_56 = vector.multi_reduction <minimumf>, %select_n3A, %reduce_min3A_55 [1] : vector<1024x1024xf32> to vector<1024xf32>
    %broadcast_in_dim3A_57 = vector.shape_cast %reduce_min3A_56 : vector<1024xf32> to vector<1024x1xf32>
    %swap3A = arith.constant 0 : index
    %swap3A_58 = arith.constant 0 : index
    %swap3A_59 = vector.load %arg9[%swap3A, %swap3A_58] : memref<1024x32xf32, #tpu.memory_space<vmem>>, vector<1024x32xf32>
    tpu.vector_store %arg9[%swap3A, %swap3A_58], %add3A_34 {strides = array<i32>} : memref<1024x32xf32, #tpu.memory_space<vmem>>, vector<1024x32xf32>,
    %swap3A_60 = arith.constant 0 : index
    %swap3A_61 = arith.constant 0 : index
    %swap3A_62 = vector.load %arg10[%swap3A_60, %swap3A_61] : memref<1024x1xf32, #tpu.memory_space<vmem>>, vector<1024x1xf32>
    tpu.vector_store %arg10[%swap3A_60, %swap3A_61], %broadcast_in_dim3A_57 {strides = array<i32>} : memref<1024x1xf32, #tpu.memory_space<vmem>>, vector<1024x1xf32>,
    return
  }
  func.func @transform_0(%arg0: i32) -> (i32, i32) {
    %c0_i32 = arith.constant 0 : i32
    %c0_i32_0 = arith.constant 0 : i32
    return %arg0, %c0_i32 : i32, i32
  }
  func.func @transform_1(%arg0: i32) -> (i32, i32) {
    %c0_i32 = arith.constant 0 : i32
    %c0_i32_0 = arith.constant 0 : i32
    %c0_i32_1 = arith.constant 0 : i32
    return %c0_i32, %c0_i32_0 : i32, i32
  }
  func.func @transform_2(%arg0: i32) -> (i32, i32) {
    %c0_i32 = arith.constant 0 : i32
    %c0_i32_0 = arith.constant 0 : i32
    %c0_i32_1 = arith.constant 0 : i32
    return %c0_i32, %c0_i32_0 : i32, i32
  }
  func.func @transform_3(%arg0: i32) -> (i32, i32) {
    %c0_i32 = arith.constant 0 : i32
    %c0_i32_0 = arith.constant 0 : i32
    %c0_i32_1 = arith.constant 0 : i32
    return %c0_i32, %c0_i32_0 : i32, i32
  }
  func.func @transform_4(%arg0: i32) -> (i32, i32) {
    %c0_i32 = arith.constant 0 : i32
    %c0_i32_0 = arith.constant 0 : i32
    %c0_i32_1 = arith.constant 0 : i32
    return %c0_i32, %c0_i32_0 : i32, i32
  }
  func.func @transform_5(%arg0: i32) -> (i32, i32) {
    %c0_i32 = arith.constant 0 : i32
    %c0_i32_0 = arith.constant 0 : i32
    %c0_i32_1 = arith.constant 0 : i32
    return %c0_i32, %c0_i32_0 : i32, i32
  }
  func.func @transform_6(%arg0: i32) -> (i32, i32) {
    %c0_i32 = arith.constant 0 : i32
    %c0_i32_0 = arith.constant 0 : i32
    %c0_i32_1 = arith.constant 0 : i32
    return %c0_i32, %c0_i32_0 : i32, i32
  }
  func.func @transform_7(%arg0: i32) -> (i32, i32) {
    %c0_i32 = arith.constant 0 : i32
    %c0_i32_0 = arith.constant 0 : i32
    %c0_i32_1 = arith.constant 0 : i32
    return %c0_i32, %c0_i32_0 : i32, i32
  }
  func.func @transform_8(%arg0: i32) -> (i32, i32) {
    %c0_i32 = arith.constant 0 : i32
    %c0_i32_0 = arith.constant 0 : i32
    return %arg0, %c0_i32 : i32, i32
  }
  func.func @transform_9(%arg0: i32) -> (i32, i32) {
    %c0_i32 = arith.constant 0 : i32
    %c0_i32_0 = arith.constant 0 : i32
    return %arg0, %c0_i32 : i32, i32
  }
}

module attributes {stable_mosaic.version = 14 : i64} {
  func.func @_dec_body(%arg0: i32, %arg1: memref<1024x32xf32, #tpu.memory_space<vmem>>, %arg2: memref<1024x32xf32, #tpu.memory_space<vmem>>, %arg3: memref<32x256xf32, #tpu.memory_space<vmem>>, %arg4: memref<1x256xf32, #tpu.memory_space<vmem>>, %arg5: memref<256x256xf32, #tpu.memory_space<vmem>>, %arg6: memref<1x256xf32, #tpu.memory_space<vmem>>, %arg7: memref<256x512xf32, #tpu.memory_space<vmem>>, %arg8: memref<1x512xf32, #tpu.memory_space<vmem>>, %arg9: memref<1024x512xf32, #tpu.memory_space<vmem>>, %arg10: memref<1024x32xf32, #tpu.memory_space<vmem>>, %arg11: memref<1x8x128xf32, #tpu.memory_space<vmem>>) attributes {dimension_semantics = [#tpu.dimension_semantics<arbitrary>], iteration_bounds = array<i64: 16>, scalar_prefetch = 0 : i64, scratch_operands = 0 : i64, tpu.core_type = #tpu.core_type<tc>, window_params = [{transform_indices = @transform_0, window_bounds = array<i64: 1024, 32>}, {transform_indices = @transform_1, window_bounds = array<i64: 1024, 32>}, {pipeline_mode = #tpu.pipeline_mode<synchronous>, transform_indices = @transform_2, window_bounds = array<i64: 32, 256>}, {pipeline_mode = #tpu.pipeline_mode<synchronous>, transform_indices = @transform_3, window_bounds = array<i64: 1, 256>}, {pipeline_mode = #tpu.pipeline_mode<synchronous>, transform_indices = @transform_4, window_bounds = array<i64: 256, 256>}, {pipeline_mode = #tpu.pipeline_mode<synchronous>, transform_indices = @transform_5, window_bounds = array<i64: 1, 256>}, {pipeline_mode = #tpu.pipeline_mode<synchronous>, transform_indices = @transform_6, window_bounds = array<i64: 256, 512>}, {pipeline_mode = #tpu.pipeline_mode<synchronous>, transform_indices = @transform_7, window_bounds = array<i64: 1, 512>}, {transform_indices = @transform_8, window_bounds = array<i64: 1024, 512>}, {transform_indices = @transform_9, window_bounds = array<i64: 1024, 32>}, {transform_indices = @transform_10, window_bounds = array<i64: 1, 8, 128>}]} {
    %get3A = arith.constant 0 : index
    %get3A_0 = arith.constant 0 : index
    %get3A_1 = vector.load %arg1[%get3A, %get3A_0] : memref<1024x32xf32, #tpu.memory_space<vmem>>, vector<1024x32xf32>
    %get3A_2 = arith.constant 0 : index
    %get3A_3 = arith.constant 0 : index
    %get3A_4 = vector.load %arg2[%get3A_2, %get3A_3] : memref<1024x32xf32, #tpu.memory_space<vmem>>, vector<1024x32xf32>
    %sub3A = arith.subf %get3A_4, %get3A_1 : vector<1024x32xf32>
    %add3A = arith.addf %get3A_1, %sub3A : vector<1024x32xf32>
    %swap3A = arith.constant 0 : index
    %swap3A_5 = arith.constant 0 : index
    %swap3A_6 = vector.load %arg10[%swap3A, %swap3A_5] : memref<1024x32xf32, #tpu.memory_space<vmem>>, vector<1024x32xf32>
    tpu.vector_store %arg10[%swap3A, %swap3A_5], %add3A {strides = array<i32>} : memref<1024x32xf32, #tpu.memory_space<vmem>>, vector<1024x32xf32>,
    %sub3A_7 = arith.subf %get3A_1, %get3A_4 : vector<1024x32xf32>
    %mul3A = arith.mulf %sub3A_7, %sub3A_7 : vector<1024x32xf32>
    %reduce_sum3A = vector.shape_cast %mul3A : vector<1024x32xf32> to vector<1x1024x32xf32>
    %reduce_sum3A_8 = arith.constant dense<0.000000e+00> : vector<1xf32>
    %reduce_sum3A_9 = vector.multi_reduction <add>, %reduce_sum3A, %reduce_sum3A_8 [1, 2] : vector<1x1024x32xf32> to vector<1xf32>
    %reduce_sum3A_10 = vector.shape_cast %reduce_sum3A_9 : vector<1xf32> to vector<1x1x1xf32>
    %reduce_sum3A_11 = vector.extract %reduce_sum3A_10[0, 0, 0] : f32 from vector<1x1x1xf32>
    %broadcast_in_dim3A = vector.broadcast %reduce_sum3A_11 : f32 to vector<1x8x128xf32>
    %swap3A_12 = arith.constant 0 : index
    %swap3A_13 = arith.constant 0 : index
    %swap3A_14 = arith.constant 0 : index
    %swap3A_15 = vector.load %arg11[%swap3A_12, %swap3A_13, %swap3A_14] : memref<1x8x128xf32, #tpu.memory_space<vmem>>, vector<1x8x128xf32>
    tpu.vector_store %arg11[%swap3A_12, %swap3A_13, %swap3A_14], %broadcast_in_dim3A {strides = array<i32>} : memref<1x8x128xf32, #tpu.memory_space<vmem>>, vector<1x8x128xf32>,
    %get3A_16 = arith.constant 0 : index
    %get3A_17 = arith.constant 0 : index
    %get3A_18 = vector.load %arg3[%get3A_16, %get3A_17] : memref<32x256xf32, #tpu.memory_space<vmem>>, vector<32x256xf32>
    %dot_general3A = arith.constant dense<0.000000e+00> : vector<1024x256xf32>
    %dot_general3A_19 = tpu.matmul %add3A, %get3A_18, %dot_general3A {dimension_numbers = #tpu.dot_dimension_numbers<[1], [0], [0], [1], [0, 0, 1, 1], [], []>, transpose_lhs_hint = false} : vector<1024x32xf32>, vector<32x256xf32>, vector<1024x256xf32> -> vector<1024x256xf32>
    %get3A_20 = arith.constant 0 : index
    %get3A_21 = arith.constant 0 : index
    %get3A_22 = vector.load %arg4[%get3A_20, %get3A_21] : memref<1x256xf32, #tpu.memory_space<vmem>>, vector<1x256xf32>
    %add3A_23 = vector.broadcast %get3A_22 : vector<1x256xf32> to vector<1024x256xf32>
    %add3A_24 = arith.addf %dot_general3A_19, %add3A_23 : vector<1024x256xf32>
    %max3A = arith.constant 0.000000e+00 : f32
    %max3A_25 = vector.broadcast %max3A : f32 to vector<1024x256xf32>
    %max3A_26 = arith.maximumf %add3A_24, %max3A_25 : vector<1024x256xf32>
    %get3A_27 = arith.constant 0 : index
    %get3A_28 = arith.constant 0 : index
    %get3A_29 = vector.load %arg5[%get3A_27, %get3A_28] : memref<256x256xf32, #tpu.memory_space<vmem>>, vector<256x256xf32>
    %dot_general3A_30 = arith.constant dense<0.000000e+00> : vector<1024x256xf32>
    %dot_general3A_31 = tpu.matmul %max3A_26, %get3A_29, %dot_general3A_30 {dimension_numbers = #tpu.dot_dimension_numbers<[1], [0], [0], [1], [0, 0, 1, 1], [], []>, transpose_lhs_hint = false} : vector<1024x256xf32>, vector<256x256xf32>, vector<1024x256xf32> -> vector<1024x256xf32>
    %get3A_32 = arith.constant 0 : index
    %get3A_33 = arith.constant 0 : index
    %get3A_34 = vector.load %arg6[%get3A_32, %get3A_33] : memref<1x256xf32, #tpu.memory_space<vmem>>, vector<1x256xf32>
    %add3A_35 = vector.broadcast %get3A_34 : vector<1x256xf32> to vector<1024x256xf32>
    %add3A_36 = arith.addf %dot_general3A_31, %add3A_35 : vector<1024x256xf32>
    %max3A_37 = arith.constant 0.000000e+00 : f32
    %max3A_38 = vector.broadcast %max3A_37 : f32 to vector<1024x256xf32>
    %max3A_39 = arith.maximumf %add3A_36, %max3A_38 : vector<1024x256xf32>
    %get3A_40 = arith.constant 0 : index
    %get3A_41 = arith.constant 0 : index
    %get3A_42 = vector.load %arg7[%get3A_40, %get3A_41] : memref<256x512xf32, #tpu.memory_space<vmem>>, vector<256x512xf32>
    %dot_general3A_43 = arith.constant dense<0.000000e+00> : vector<1024x512xf32>
    %dot_general3A_44 = tpu.matmul %max3A_39, %get3A_42, %dot_general3A_43 {dimension_numbers = #tpu.dot_dimension_numbers<[1], [0], [0], [1], [0, 0, 1, 1], [], []>, transpose_lhs_hint = false} : vector<1024x256xf32>, vector<256x512xf32>, vector<1024x512xf32> -> vector<1024x512xf32>
    %get3A_45 = arith.constant 0 : index
    %get3A_46 = arith.constant 0 : index
    %get3A_47 = vector.load %arg8[%get3A_45, %get3A_46] : memref<1x512xf32, #tpu.memory_space<vmem>>, vector<1x512xf32>
    %add3A_48 = vector.broadcast %get3A_47 : vector<1x512xf32> to vector<1024x512xf32>
    %add3A_49 = arith.addf %dot_general3A_44, %add3A_48 : vector<1024x512xf32>
    %swap3A_50 = arith.constant 0 : index
    %swap3A_51 = arith.constant 0 : index
    %swap3A_52 = vector.load %arg9[%swap3A_50, %swap3A_51] : memref<1024x512xf32, #tpu.memory_space<vmem>>, vector<1024x512xf32>
    tpu.vector_store %arg9[%swap3A_50, %swap3A_51], %add3A_49 {strides = array<i32>} : memref<1024x512xf32, #tpu.memory_space<vmem>>, vector<1024x512xf32>,
    return
  }
  func.func @transform_0(%arg0: i32) -> (i32, i32) {
    %c0_i32 = arith.constant 0 : i32
    %c0_i32_0 = arith.constant 0 : i32
    return %arg0, %c0_i32 : i32, i32
  }
  func.func @transform_1(%arg0: i32) -> (i32, i32) {
    %c0_i32 = arith.constant 0 : i32
    %c0_i32_0 = arith.constant 0 : i32
    return %arg0, %c0_i32 : i32, i32
  }
  func.func @transform_2(%arg0: i32) -> (i32, i32) {
    %c0_i32 = arith.constant 0 : i32
    %c0_i32_0 = arith.constant 0 : i32
    %c0_i32_1 = arith.constant 0 : i32
    return %c0_i32, %c0_i32_0 : i32, i32
  }
  func.func @transform_3(%arg0: i32) -> (i32, i32) {
    %c0_i32 = arith.constant 0 : i32
    %c0_i32_0 = arith.constant 0 : i32
    %c0_i32_1 = arith.constant 0 : i32
    return %c0_i32, %c0_i32_0 : i32, i32
  }
  func.func @transform_4(%arg0: i32) -> (i32, i32) {
    %c0_i32 = arith.constant 0 : i32
    %c0_i32_0 = arith.constant 0 : i32
    %c0_i32_1 = arith.constant 0 : i32
    return %c0_i32, %c0_i32_0 : i32, i32
  }
  func.func @transform_5(%arg0: i32) -> (i32, i32) {
    %c0_i32 = arith.constant 0 : i32
    %c0_i32_0 = arith.constant 0 : i32
    %c0_i32_1 = arith.constant 0 : i32
    return %c0_i32, %c0_i32_0 : i32, i32
  }
  func.func @transform_6(%arg0: i32) -> (i32, i32) {
    %c0_i32 = arith.constant 0 : i32
    %c0_i32_0 = arith.constant 0 : i32
    %c0_i32_1 = arith.constant 0 : i32
    return %c0_i32, %c0_i32_0 : i32, i32
  }
  func.func @transform_7(%arg0: i32) -> (i32, i32) {
    %c0_i32 = arith.constant 0 : i32
    %c0_i32_0 = arith.constant 0 : i32
    %c0_i32_1 = arith.constant 0 : i32
    return %c0_i32, %c0_i32_0 : i32, i32
  }
  func.func @transform_8(%arg0: i32) -> (i32, i32) {
    %c0_i32 = arith.constant 0 : i32
    %c0_i32_0 = arith.constant 0 : i32
    return %arg0, %c0_i32 : i32, i32
  }
  func.func @transform_9(%arg0: i32) -> (i32, i32) {
    %c0_i32 = arith.constant 0 : i32
    %c0_i32_0 = arith.constant 0 : i32
    return %arg0, %c0_i32 : i32, i32
  }
  func.func @transform_10(%arg0: i32) -> (i32, i32, i32) {
    %c0_i32 = arith.constant 0 : i32
    %c0_i32_0 = arith.constant 0 : i32
    %c0_i32_1 = arith.constant 0 : i32
    return %arg0, %c0_i32, %c0_i32_0 : i32, i32, i32
  }
}

</mosaic_0001>

<sc_bundles>
// kernel: _vqvae.5.cloned.1.call-start
scs
__scs_entry_jumppad:
0x0: {  	(pc) =	sbr.rel $0x88, $3  }
0x1: {  	(tag) =	ssettag $0x0;
	lr =	simm.s32 $0x1  }
0x2: {  	[smem:$0x3F93] =	sst lr;
	_ =	strace $0xD0000000  }
0x3: {  	_ = 	snop  }
0x4: {  	_ = 	snop  }
0x5: {  	_ = 	snop  }
0x6: {  	_ = 	snop  }
0x7: {  	_ = 	snop  }
__scs_overlays_trampoline_lowered:
0x8: {  	[smem:$0x3FA2] =	sst s0  }
0x9: {  	[smem:$0x3FA3] =	sst s1  }
0xa: {  	[smem:$0x3FA4] =	sst s2  }
0xb: {  	[smem:$0x3FA5] =	sst s3  }
0xc: {  	[smem:$0x3FA6] =	sst s4  }
0xd: {  	[smem:$0x3FA7] =	sst s5  }
0xe: {  	[smem:$0x3FA8] =	sst s6  }
0xf: {  	[smem:$0x3FA9] =	sst s7  }
0x10: {  	[smem:$0x3FAA] =	sst s8  }
0x11: {  	[smem:$0x3FAB] =	sst s9;
	s0 =	simm.s32 @!p0 $0x0  }
0x12: {  	s1 =	sld [smem:$0x3F91];
	s0 =	simm.s32 @p0 $0x1  }
0x13: {  	[smem:$0x3FAC] =	sst s0;
	s0 =	simm.s32 @!p1 $0x0  }
0x14: {  	s2 =	sld [smem:$0x3F90];
	s0 =	simm.s32 @p1 $0x1  }
0x15: {  	[smem:$0x3FAD] =	sst s0;
	s0 =	simm.s32 @!p2 $0x0  }
0x16: {  	s3 =	sld [smem:$0x3FDB];
	s0 =	simm.s32 @p2 $0x1  }
0x17: {  	s4 =	simm.s32 $0x1BF5;
	[smem:$0x3FAF] =	sst s0  }
0x18: {  	s0 =	sld [smem:$0x3F92];
	_ =	swait.ge [sflag:s4], $0x0  }
0x19: {  	s7 =	sld [smem:$0x3F93]  }
0x1a: {  	s8 =	sadd.s32 $0xFFFFE003, lr  }
0x1b: {  	s9 =	sadd.s32 $0xFFFFFEF7, lr;
	s5 =	simm.s32 $0xFFFFFFFF;
	p2 =	slt.u32 s8, $0xFFFFF086  }
0x1c: {  	p1 =	slt.u32 s9, $0xF7A;
	s5 =	simm.s32 @!p2 $0x0  }
0x1d: {  	s5 =	simm.s32 @p1 $0x1;
	p0 =	seq.s32 s7, s2  }
0x1e: {  	s7 =	smul.u32 @!p0 $0xF7A, s2;
	p2 =	seq.s32 @!p0 s5, $0x0  }
0x1f: {  	s9 =	smul.u32 $0xF7A, s1;
	s8 =	simm.s32 @!p0 $0x1BF5;
	p2 =	por !p2, p0  }
0x20: {  	[sflag:s8] =	ssyncset.s32 @!p0 $0xFFFFF086;
	s6 =	sadd.s32 @!p0 s3, s7;
	s7 =	simm.s32 @!p0 $0x108  }
0x21: {  	s3 =	sadd.s32 s3, s9;
	s6 =	sadd.s32 @!p0 $0x88, s6;
	s7 =	simm.s32 @p2 $0x1082  }
0x22: {  	[simem:s7], [sflag:s8] =	dma.local @!p0 [hbm:s6], $0xF7A  }
0x23: {  	s9 =	sor.u32 $0xD0000000, s2;
	s6 =	simm.s32 $0x108;
	_ =	swait.ge @!p0 [sflag:s8], $0x0  }
0x24: {  	s3 =	sadd.s32 $0x88, s3;
	s6 =	simm.s32 @!p1 $0x1082;
	[sflag:s4] =	ssyncset.s32 $0xFFFFF086  }
0x25: {  	[simem:s6], [sflag:s4] =	dma.local [hbm:s3], $0xF7A  }
0x26: {  	[smem:$0x3F93] =	sst s1;
	(tag) =	ssettag s2;
	_ =	strace s9  }
0x27: {  	s1 =	sld [smem:$0x3FA3]  }
0x28: {  	s2 =	sld [smem:$0x3FA4]  }
0x29: {  	s4 =	sld [smem:$0x3FA6]  }
0x2a: {  	p0 =	seq.s32 s5, $0x0;
	s5 =	sld [smem:$0x3FA7]  }
0x2b: {  	s6 =	sld [smem:$0x3FA8]  }
0x2c: {  	s7 =	sld [smem:$0x3FA9]  }
0x2d: {  	s3 =	simm.s32 $0x108;
	s8 =	sld [smem:$0x3FAA]  }
0x2e: {  	s3 =	simm.s32 @!p0 $0x1082;
	s9 =	sld [smem:$0x3FAB]  }
0x2f: {  	lr =	sadd.s32 s0, s3;
	s0 =	sld [smem:$0x3FA2]  }
0x30: {  	s3 =	sld [smem:$0x3FA5]  }
0x31: {  	[smem:$0x3FAE] =	sst s10  }
0x32: {  	s10 =	sld [smem:$0x3FAC];
	_ =	sdelay $0x3  }
0x33: {  	p0 =	seq.s32 s10, $0x1;
	s10 =	sld [smem:$0x3FAE];
	_ =	sdelay $0x3  }
0x34: {  	[smem:$0x3FAE] =	sst s10  }
0x35: {  	s10 =	sld [smem:$0x3FAD];
	_ =	sdelay $0x3  }
0x36: {  	p1 =	seq.s32 s10, $0x1;
	s10 =	sld [smem:$0x3FAE];
	_ =	sdelay $0x3  }
0x37: {  	[smem:$0x3FAE] =	sst s10  }
0x38: {  	s10 =	sld [smem:$0x3FAF]  }
0x39: {  	_ = 	snop;
	(pc) =	sbr.ind lr, $3  }
0x3a: {  	_ = 	snop  }
0x3b: {  	_ = 	snop  }
0x3c: {  	p2 =	seq.s32 s10, $0x1;
	s10 =	sld [smem:$0x3FAE]  }
0x3d: {  	_ =	shalt  }
0x3e: {  	_ =	shalt  }
0x3f: {  	_ =	shalt  }
0x40: {  	_ =	shalt  }
0x41: {  	_ =	shalt  }
0x42: {  	_ =	shalt  }
0x43: {  	_ =	shalt  }
0x44: {  	_ =	shalt  }
0x45: {  	_ =	shalt  }
0x46: {  	_ =	shalt  }
0x47: {  	_ =	shalt  }
0x48: {  	_ =	shalt  }
0x49: {  	_ =	shalt  }
0x4a: {  	_ =	shalt  }
0x4b: {  	_ =	shalt  }
0x4c: {  	_ =	shalt  }
0x4d: {  	_ =	shalt  }
0x4e: {  	_ =	shalt  }
0x4f: {  	_ =	shalt  }
0x50: {  	_ =	shalt  }
0x51: {  	_ =	shalt  }
0x52: {  	_ =	shalt  }
0x53: {  	_ =	shalt  }
0x54: {  	_ =	shalt  }
0x55: {  	_ =	shalt  }
0x56: {  	_ =	shalt  }
0x57: {  	_ =	shalt  }
0x58: {  	_ =	shalt  }
0x59: {  	_ =	shalt  }
0x5a: {  	_ =	shalt  }
0x5b: {  	_ =	shalt  }
0x5c: {  	_ =	shalt  }
0x5d: {  	_ =	shalt  }
0x5e: {  	_ =	shalt  }
0x5f: {  	_ =	shalt  }
0x60: {  	_ =	shalt  }
0x61: {  	_ =	shalt  }
0x62: {  	_ =	shalt  }
0x63: {  	_ =	shalt  }
0x64: {  	_ =	shalt  }
0x65: {  	_ =	shalt  }
0x66: {  	_ =	shalt  }
0x67: {  	_ =	shalt  }
0x68: {  	_ =	shalt  }
0x69: {  	_ =	shalt  }
0x6a: {  	_ =	shalt  }
0x6b: {  	_ =	shalt  }
0x6c: {  	_ =	shalt  }
0x6d: {  	_ =	shalt  }
0x6e: {  	_ =	shalt  }
0x6f: {  	_ =	shalt  }
0x70: {  	_ =	shalt  }
0x71: {  	_ =	shalt  }
0x72: {  	_ =	shalt  }
0x73: {  	_ =	shalt  }
0x74: {  	_ =	shalt  }
0x75: {  	_ =	shalt  }
0x76: {  	_ =	shalt  }
0x77: {  	_ =	shalt  }
0x78: {  	_ =	shalt  }
0x79: {  	_ =	shalt  }
0x7a: {  	_ =	shalt  }
0x7b: {  	_ =	shalt  }
0x7c: {  	_ =	shalt  }
0x7d: {  	_ =	shalt  }
0x7e: {  	_ =	shalt  }
0x7f: {  	_ =	shalt  }
0x80: {  	_ =	shalt  }
0x81: {  	_ =	shalt  }
0x82: {  	_ =	shalt  }
0x83: {  	_ =	shalt  }
0x84: {  	_ =	shalt  }
0x85: {  	_ =	shalt  }
0x86: {  	_ =	shalt  }
0x87: {  	_ =	shalt  }
.Lfunc_end0:
.L_simem_size_0:
called_computation_lowered:
.L_overlay_start_0:
0x88: {  	s2 =	sld [smem:$0x3FD9]  }
0x89: {  	s3 =	sld [smem:$0x3FFE];
	_ =	sdelay $0x1  }
0x8a: {  	s1 =	srdreg.scid  }
0x8b: {  	s0 =	sand.u32 $0x1, s1  }
0x8c: {  	s14 =	sshll.u32 s0, $0xA;
	s2 =	sadd.s32 s3, s2  }
0x8d: {  	s2 =	sadd.s32 s2, s14  }
0x8e: {  	[smem:$0x3FBA] =	sst s2  }
0x8f: {  	_ = 	snop  }
0x90: {  	s2 =	sld [smem:$0x3FD0];
	_ =	sdelay $0x2  }
0x91: {  	s15 =	simm.s32 $0xA;
	s4 =	simm.s32 $0x10  }
0x92: {  	[smem:s4], [sflag:s15] =	dma.local [hbm:s2], $0x1  }
0x93: {  	_ =	swait.eq [sflag:s15], $0x1  }
0x94: {  	[sflag:s15] =	ssyncset.done $0x0  }
0x95: {  	s16 =	sld [smem:$0x10];
	[sflag:s15] =	ssyncadd.s32 $0xFFFFFFFF  }
0x96: {  	s17 =	sld [smem:$0x11];
	(tm) =	ssettm $0x1  }
0x97: {  	s18 =	sld [smem:$0x3FFB];
	_ =	sdelay $0x3  }
0x98: {  	_ =	strace s18  }
0x99: {  	s4 =	sld [smem:$0x3FFC];
	_ =	sdelay $0x3  }
0x9a: {  	_ =	strace s4  }
0x9b: {  	s4 =	sld [smem:$0x3FFD];
	_ =	sdelay $0x3  }
0x9c: {  	_ =	strace s4  }
0x9d: {  	_ =	strace $0x8FFFFFFF  }
0x9e: {  	s19 =	sld [smem:$0x3FDB];
	_ =	sdelay $0x1  }
0x9f: {  	s5 =	simm.s32 $_scs_section_size  }
0xa0: {  	s6 =	simm.s32 $_size__tile_overlayer_lowered;
	s7 =	simm.s32 $_tile_overlayer_lowered  }
0xa1: {  	s22 =	simm.s32 $0x1BFF;
	s21 =	sshll.u32 s7, $0x1;
	s4 =	sadd.s32 s5, s19  }
0xa2: {  	s8 =	simm.s32 $0x0;
	s20 =	sshll.u32 s6, $0x1;
	s6 =	sadd.s32 s21, s4  }
0xa3: {  	[timem:s8], [sflag:s22] =	dma.local [hbm:s6], s20  }
0xa4: {  	_ =	swait.ge [sflag:s22], s20  }
0xa5: {  	s5 =	ssub.s32 $0x0, s20;
	[sflag:s22] =	ssyncset.done $0x0  }
0xa6: {  	[sflag:s22] =	ssyncadd.s32 s5;
	_ =	sdelay $0x1  }
0xa7: {  	s23 =	simm.s32 $0x1B8B  }
0xa8: {  	_ =	swait.ge [sflag:s23], $0x1  }
0xa9: {  	[sflag:s23] =	ssyncset.done $0x0  }
0xaa: {  	s25 =	simm.s32 $0x1B8E;
	s24 =	sld [smem:$0x3FFE];
	[sflag:s23] =	ssyncadd.s32 $0xFFFFFFFF  }
0xab: {  	s26 =	simm.s32 $execute0_lowered;
	[smem:$0x3FD2] =	sst s25  }
0xac: {  	s6 =	sshll.u32 s26, $0x1;
	_ =	strace $0x80000046;
	[dreg:$0x1] =	wrdreg $0xFFFFFFFF  }
0xad: {  	s28 =	simm.s32 $_size_execute0_lowered;
	s4 =	sadd.s32 s4, s6;
	[dreg:$0x0] =	wrdreg $0x0  }
0xae: {  	s6 =	sshll.u32 s28, $0x1;
	[dreg:$0x2] =	wrdreg s4  }
0xaf: {  	[dreg:$0x3] =	wrdreg s6  }
0xb0: {  	[dreg:$0x4] =	wrdreg $0xC0  }
0xb1: {  	_ =	task [dreg:s8], $0x5FFFF  }
0xb2: {  	[dreg:$0x1] =	wrdreg $0xFFFFFFFF  }
0xb3: {  	[dreg:$0x0] =	wrdreg $0x60  }
0xb4: {  	[dreg:$0x2] =	wrdreg s16  }
0xb5: {  	[dreg:$0x3] =	wrdreg s24  }
0xb6: {  	[dreg:$0x4] =	wrdreg s17  }
0xb7: {  	[dreg:$0x5] =	wrdreg $0x9  }
0xb8: {  	_ =	task.clear_ibuf [dreg:s8], $0x6FFFF;
	_ =	strace $0x90000046  }
0xb9: {  	s29 =	simm.s32 $0x9;
	_ =	strace $0x80000048  }
0xba: {  	_ =	swait.ge [sflag:s29], $0x1  }
0xbb: {  	[sflag:s29] =	ssyncadd.s32 $0xFFFFFFFF  }
0xbc: {  	_ =	strace $0x90000048  }
0xbd: {  	_ =	sfence  }
0xbe: {  	s30 =	sld [smem:$0x0];
	_ =	sdelay $0x2  }
0xbf: {  	s31 =	sshll.u32 s1, $0xD;
	s1 =	sshrl.u32 s1, $0x2  }
0xc0: {  	s3 =	sand.u32 $0x4000, s31;
	s1 =	sadd.s32 s1, s30  }
0xc1: {  	s0 =	sor.u32 s3, s0;
	s1 =	sshll.u32 s1, $0x11  }
0xc2: {  	s0 =	sor.u32 s1, s0  }
0xc3: {  	s0 =	sadd.s32 $0x8F2B, s0  }
0xc4: {  	[sflag:s0] =	ssyncadd.remote.s32 $0x1  }
0xc5: {  	_ =	sfence.sel $0xFFFF  }
0xc6: {  	[dreg:$0x0] =	wrdreg $0xFFFFFFFF;
	(pc) =	sbr.abs _section_cstart, $3  }
0xc7: {  	[dreg:$0x1] =	wrdreg $0xFFFFFFFF  }
0xc8: {  	_ =	task.clear_ibuf [dreg:s8], $0x2FFFF;
	_ =	strace $0x9FFFFFFF  }
0xc9: {  	(tm) =	ssettm $0x7FFFFFFF  }
tec
execute0_lowered:
.L_overlay_start_1:
0x0: {  	(tag) =	ssettag $0x1  }
0x1: {  	s2 =	srdreg.scid  }
0x2: {  	s1 =	rddreg [dreg:$0x0];
	s0 =	stileid.u32;
	s16 =	sand.u32 $0x1, s2  }
0x3: {  	s4 =	rddreg [dreg:$0x1];
	s31 =	sshll.u32 s0, $0xA;
	s3 =	sshll.u32 s16, $0x9  }
0x4: {  	s14 =	rddreg [dreg:$0x2];
	s15 =	sor.u32 s3, s31  }
0x5: {  	s2 =	rddreg [dreg:$0x3];
	s3 =	simm.s32 $0x0;
	s5 =	sshrl.u32 s15, $0x3  }
0x6: {  	[smem:$0x7FF] =	sst s3;
	s4 =	sadd.s32 s5, s4  }
0x7: {  	_ =	strace $0x80000047;
	s5 =	sadd.s32 $0x1600, s4;
	s4 =	simm.s32 $0x2  }
0x8: {  	[tilespmem:s3], [sflag:$0x2] =	stream.linear.gather [hbm4b:s5+s3], $0x200, $0x38;
	[tilespmem:$0x4200] =	vst v63  }
0x9: {  	_ =	swait.ge [sflag:s4], $0x200  }
0xa: {  	[sflag:s4] =	ssyncset.done $0x0  }
0xb: {  	s6 =	simm.s32 $0x80;
	s7 =	simm.s32 $0x200;
	[sflag:s4] =	ssyncadd.s32 $0xFFFFFE00  }
0xc: {  	[tilespmem:s7], [sflag:$0x1] =	stream.indirect.gather [hbm4b:s1+s6], $0x20, s3, s6, $0xb8;
	[tilespmem:$0x4200] =	vst v63  }
0xd: {  	s8 =	simm.s32 $0x1200  }
0xe: {  	[tilespmem:s8], [sflag:$0x1] =	stream.indirect.gather [hbm4b:s1+s6], $0x20, s6, s6, $0xb8;
	[tilespmem:$0x4200] =	vst v63  }
0xf: {  	s9 =	simm.s32 $0x100;
	s10 =	simm.s32 $0x2200  }
0x10: {  	[tilespmem:s10], [sflag:$0x1] =	stream.indirect.gather [hbm4b:s1+s6], $0x20, s9, s6, $0xb8;
	[tilespmem:$0x4200] =	vst v63  }
0x11: {  	s11 =	simm.s32 $0x180;
	s12 =	simm.s32 $0x3200;
	s13 =	simm.s32 $0x1  }
0x12: {  	[tilespmem:s12], [sflag:$0x1] =	stream.indirect.gather [hbm4b:s1+s6], $0x20, s11, s6, $0xb8;
	[tilespmem:$0x4200] =	vst v63  }
0x13: {  	_ =	swait.ge [sflag:s13], $0x1000  }
0x14: {  	[sflag:s13] =	ssyncset.done $0x0  }
0x15: {  	[sflag:s13] =	ssyncadd.s32 $0xFFFFF000  }
0x16: {  	_ =	swait.ge [sflag:s13], $0x1000  }
0x17: {  	[sflag:s13] =	ssyncset.done $0x0  }
0x18: {  	[sflag:s13] =	ssyncadd.s32 $0xFFFFF000  }
0x19: {  	_ =	swait.ge [sflag:s13], $0x1000  }
0x1a: {  	[sflag:s13] =	ssyncset.done $0x0  }
0x1b: {  	[sflag:s13] =	ssyncadd.s32 $0xFFFFF000  }
0x1c: {  	_ =	swait.ge [sflag:s13], $0x1000  }
0x1d: {  	s15 =	sshll.u32 s15, $0x2;
	[sflag:s13] =	ssyncset.done $0x0  }
0x1e: {  	s14 =	sadd.s32 s14, s15;
	[sflag:s13] =	ssyncadd.s32 $0xFFFFF000  }
0x1f: {  	[hbm4b:s14+s3] =	stream.linear.scatter [tilespmem:s7], [sflag:$0x2], $0x1000, $0x38;
	[tilespmem:$0x4200] =	vst v63  }
0x20: {  	_ =	swait.ge [sflag:s4], $0x1000  }
0x21: {  	[sflag:s4] =	ssyncset.done $0x0  }
0x22: {  	s17 =	ssub.s32 $0x2, s16;
	s15 =	sadd.s32 $0x200, s14;
	[sflag:s4] =	ssyncadd.s32 $0xFFFFF000  }
0x23: {  	[hbm4b:s15+s3] =	stream.linear.scatter [tilespmem:s8], [sflag:$0x2], $0x1000, $0x38;
	[tilespmem:$0x4200] =	vst v63  }
0x24: {  	s18 =	sshrl.u32 s17, $0x1;
	_ =	swait.ge [sflag:s4], $0x1000  }
0x25: {  	s18 =	ssub.s32 s17, s18;
	[sflag:s4] =	ssyncset.done $0x0  }
0x26: {  	s18 =	smax.u32 s18, $0x1;
	s16 =	sadd.s32 $0x400, s14;
	[sflag:s4] =	ssyncadd.s32 $0xFFFFF000  }
0x27: {  	[hbm4b:s16+s3] =	stream.linear.scatter [tilespmem:s10], [sflag:$0x2], $0x1000, $0x38;
	[tilespmem:$0x4200] =	vst v63  }
0x28: {  	p0 =	sne.s32 s18, $0x1;
	_ =	swait.ge [sflag:s4], $0x1000  }
.Ltmp0:
0x29: {  	[sflag:s4] =	ssyncset.done $0x0;
	(pc) =	sbr.rel @!p0 .LBB2_2-.Ltmp0, $4  }
0x2a: {  	s17 =	sadd.s32 $0x600, s14;
	[sflag:s4] =	ssyncadd.s32 $0xFFFFF000  }
0x2b: {  	[hbm4b:s17+s3] =	stream.linear.scatter [tilespmem:s12], [sflag:$0x2], $0x1000, $0x38;
	[tilespmem:$0x4200] =	vst v63  }
0x2c: {  	_ =	swait.ge [sflag:s4], $0x1000  }
0x2d: {  	s18 =	sadd.s32 $0xFFFFFFFF, s18;
	[sflag:s4] =	ssyncset.done $0x0  }
.LBB2_1:
0x2e: {  	p0 =	sne.s32 s18, $0x1;
	s18 =	sadd.s32 $0xFFFFFFFF, s18;
	[sflag:s4] =	ssyncadd.s32 $0xFFFFF000  }
0x2f: {  	[tilespmem:s3], [sflag:$0x2] =	stream.linear.gather [hbm4b:s5+s3], $0x200, $0x38;
	[tilespmem:$0x4200] =	vst v63  }
0x30: {  	_ =	swait.ge [sflag:s4], $0x200  }
0x31: {  	[sflag:s4] =	ssyncset.done $0x0  }
0x32: {  	[sflag:s4] =	ssyncadd.s32 $0xFFFFFE00  }
0x33: {  	[tilespmem:s7], [sflag:$0x1] =	stream.indirect.gather [hbm4b:s1+s6], $0x20, s3, s6, $0xb8;
	[tilespmem:$0x4200] =	vst v63  }
0x34: {  	_ = 	snop  }
0x35: {  	[tilespmem:s8], [sflag:$0x1] =	stream.indirect.gather [hbm4b:s1+s6], $0x20, s6, s6, $0xb8;
	[tilespmem:$0x4200] =	vst v63  }
0x36: {  	_ = 	snop  }
0x37: {  	[tilespmem:s10], [sflag:$0x1] =	stream.indirect.gather [hbm4b:s1+s6], $0x20, s9, s6, $0xb8;
	[tilespmem:$0x4200] =	vst v63  }
0x38: {  	_ = 	snop  }
0x39: {  	[tilespmem:s12], [sflag:$0x1] =	stream.indirect.gather [hbm4b:s1+s6], $0x20, s11, s6, $0xb8;
	[tilespmem:$0x4200] =	vst v63  }
0x3a: {  	_ =	swait.ge [sflag:s13], $0x1000  }
0x3b: {  	[sflag:s13] =	ssyncset.done $0x0  }
0x3c: {  	[sflag:s13] =	ssyncadd.s32 $0xFFFFF000  }
0x3d: {  	_ =	swait.ge [sflag:s13], $0x1000  }
0x3e: {  	[sflag:s13] =	ssyncset.done $0x0  }
0x3f: {  	[sflag:s13] =	ssyncadd.s32 $0xFFFFF000  }
0x40: {  	_ =	swait.ge [sflag:s13], $0x1000  }
0x41: {  	[sflag:s13] =	ssyncset.done $0x0  }
0x42: {  	[sflag:s13] =	ssyncadd.s32 $0xFFFFF000  }
0x43: {  	_ =	swait.ge [sflag:s13], $0x1000  }
0x44: {  	[sflag:s13] =	ssyncset.done $0x0  }
0x45: {  	[sflag:s13] =	ssyncadd.s32 $0xFFFFF000  }
0x46: {  	[hbm4b:s14+s3] =	stream.linear.scatter [tilespmem:s7], [sflag:$0x2], $0x1000, $0x38;
	[tilespmem:$0x4200] =	vst v63  }
0x47: {  	_ =	swait.ge [sflag:s4], $0x1000  }
0x48: {  	[sflag:s4] =	ssyncset.done $0x0  }
0x49: {  	[sflag:s4] =	ssyncadd.s32 $0xFFFFF000  }
0x4a: {  	[hbm4b:s15+s3] =	stream.linear.scatter [tilespmem:s8], [sflag:$0x2], $0x1000, $0x38;
	[tilespmem:$0x4200] =	vst v63  }
0x4b: {  	_ =	swait.ge [sflag:s4], $0x1000  }
0x4c: {  	[sflag:s4] =	ssyncset.done $0x0  }
0x4d: {  	[sflag:s4] =	ssyncadd.s32 $0xFFFFF000  }
0x4e: {  	[hbm4b:s16+s3] =	stream.linear.scatter [tilespmem:s10], [sflag:$0x2], $0x1000, $0x38;
	[tilespmem:$0x4200] =	vst v63  }
0x4f: {  	_ =	swait.ge [sflag:s4], $0x1000  }
.Ltmp1:
0x50: {  	[sflag:s4] =	ssyncset.done $0x0;
	(pc) =	sbr.rel @p0 .LBB2_1-.Ltmp1, $4  }
0x51: {  	[sflag:s4] =	ssyncadd.s32 $0xFFFFF000  }
0x52: {  	[hbm4b:s17+s3] =	stream.linear.scatter [tilespmem:s12], [sflag:$0x2], $0x1000, $0x38;
	[tilespmem:$0x4200] =	vst v63  }
0x53: {  	_ =	swait.ge [sflag:s4], $0x1000  }
0x54: {  	[sflag:s4] =	ssyncset.done $0x0  }
.LBB2_2:
0x55: {  	[sflag:s4] =	ssyncadd.s32 $0xFFFFF000  }
0x56: {  	_ =	sfence.sel $0x180000  }
0x57: {  	[bflag:$0x0] =	sbarrier.arrive $0xFFFF  }
0x58: {  	p0 =	sne.s32 s0, $0x0;
	_ =	strace $0x90000047  }
0x59: {  	s0 =	sadd.s32 @!p0 $0x100000, s2;
	[bflag:$0x2] =	sbarrier.arrive $0xFFFF  }
0x5a: {  	[sflag:s0] =	ssyncadd.tile.s32 @!p0 $0x1;
	_ =	shalt  }
.Lfunc_end2:
_tile_overlayer_lowered:
.L_overlay_start_2:
0x5b: {  	(tag) =	ssettag $0x2  }
0x5c: {  	s0 =	rddreg [dreg:$0x0];
	s2 =	stileid.u32  }
0x5d: {  	s1 =	rddreg [dreg:$0x1];
	p0 =	sne.s32 s2, $0x0  }
0x5e: {  	s3 =	rddreg [dreg:$0x2];
	[bflag:$0x3] =	sbarrier.arrive $0xFFFF;
	s2 =	simm.s32 @!p0 $0x1C02  }
0x5f: {  	[timem:s3], [sflag:s2] =	dma.local @!p0 [hbm:s0], s1  }
0x60: {  	s0 =	simm.s32 @!p0 $0x2  }
0x61: {  	_ =	swait.ge @!p0 [sflag:s0], s1  }
0x62: {  	s1 =	ssub.s32 @!p0 $0x0, s1;
	[sflag:s0] =	ssyncset.done @!p0 $0x0  }
0x63: {  	[sflag:s0] =	ssyncadd.s32 @!p0 s1  }
0x64: {  	[bflag:$0x3] =	sbarrier.arrive $0xFFFF  }
0x65: {  	_ =	shalt  }

</sc_bundles>
